<compile_context>
chip_gen: v7x
topology: tpu7x:2x2x1
jax: 0.10.2.dev20260603
libtpu: 0.0.44.dev20260713+nightly
codegen_flags: <defaults>
</compile_context>

<pallas_src>
import functools

import jax
import jax.numpy as jnp
from jax import lax
from jax.experimental import pallas as pl
from jax.experimental.pallas import tpu as pltpu
from jax.experimental.pallas import tpu_sc as plsc

N = 32768
D = 256
NSEG = 16
L = 16

NC = 2
NS = 16
NW = NC * NS

SC_ROWS = 8192
ROWS_W = SC_ROWS // NW
CH = 64
NCH = ROWS_W // CH
GPC = CH // L

R = 1024
TC_OFF = SC_ROWS // R
NB_TC = (N - SC_ROWS) // R


def _stage1_body(inp_hbm, tgt_hbm, idx_hbm, part_hbm,
                 inp_buf, tgt_buf, idx_buf, seg_buf, isem, tsem):
    wid = lax.axis_index("s") * NC + lax.axis_index("c")
    row0 = wid * ROWS_W
    lane = lax.iota(jnp.int32, L)
    zeros = jnp.zeros((L,), jnp.float32)

    def start_chunk(c, slot):
        base = row0 + c * CH
        pltpu.make_async_copy(inp_hbm.at[pl.ds(base, CH)],
                              inp_buf.at[slot], isem.at[slot]).start()
        pltpu.make_async_copy(tgt_hbm.at[pl.ds(base, CH)],
                              tgt_buf.at[slot], tsem.at[slot]).start()

    def wait_chunk(c, slot):
        base = row0 + c * CH
        pltpu.make_async_copy(inp_hbm.at[pl.ds(base, CH)],
                              inp_buf.at[slot], isem.at[slot]).wait()
        pltpu.make_async_copy(tgt_hbm.at[pl.ds(base, CH)],
                              tgt_buf.at[slot], tsem.at[slot]).wait()

    def compute_chunk(c, slot):
        def group_body(g, _):
            idx_vec = idx_buf[pl.ds(c * CH + g * L, L)]

            def row_body(k, _):
                r = g * L + k
                racc = zeros
                for j in range(D // L):
                    di = (inp_buf[slot, r, pl.ds(j * L, L)]
                          - tgt_buf[slot, r, pl.ds(j * L, L)])
                    racc = racc + di * di
                kv = jnp.full((L,), k, dtype=jnp.int32)
                s_scalar = jnp.sum(jnp.where(lane == kv, idx_vec, 0))
                addr = jnp.full((L,), s_scalar, jnp.int32) * L + lane
                plsc.addupdate_scatter(seg_buf, [addr], racc)
                return 0

            lax.fori_loop(0, L, row_body, 0)
            return 0

        lax.fori_loop(0, GPC, group_body, 0)

    start_chunk(0, 0)
    if NCH > 1:
        start_chunk(1, 1)
    for j in range(NSEG):
        seg_buf[pl.ds(j * L, L)] = zeros
    pltpu.sync_copy(idx_hbm.at[pl.ds(row0, ROWS_W)], idx_buf)

    def pair_body(p, _):
        c0 = p * 2
        wait_chunk(c0, 0)
        compute_chunk(c0, 0)

        @pl.when(c0 + 2 < NCH)
        def _p0():
            start_chunk(c0 + 2, 0)

        wait_chunk(c0 + 1, 1)
        compute_chunk(c0 + 1, 1)

        @pl.when(c0 + 3 < NCH)
        def _p1():
            start_chunk(c0 + 3, 1)

        return 0

    lax.fori_loop(0, NCH // 2, pair_body, 0)

    pltpu.sync_copy(seg_buf, part_hbm.at[wid])


_stage1 = functools.partial(
    pl.kernel,
    out_type=jax.ShapeDtypeStruct((NW, NSEG * L), jnp.float32),
    mesh=plsc.VectorSubcoreMesh(core_axis_name="c", subcore_axis_name="s",
                                num_cores=NC, num_subcores=NS),
    compiler_params=pltpu.CompilerParams(needs_layout_passes=False),
    scratch_types=[
        pltpu.VMEM((2, CH, D), jnp.float32),
        pltpu.VMEM((2, CH, D), jnp.float32),
        pltpu.VMEM((ROWS_W,), jnp.int32),
        pltpu.VMEM((NSEG * L,), jnp.float32),
        pltpu.SemaphoreType.DMA((2,)),
        pltpu.SemaphoreType.DMA((2,)),
    ],
)(_stage1_body)


def _tc_body(inp_ref, tgt_ref, idx_ref, out_ref):
    b = pl.program_id(0)
    d = inp_ref[...] - tgt_ref[...]
    sq = d * d
    idxr = idx_ref[0]
    oh = (lax.broadcasted_iota(jnp.int32, (NSEG, R), 0)
          == idxr).astype(jnp.float32)
    part = jnp.dot(oh, sq, preferred_element_type=jnp.float32)

    @pl.when(b == 0)
    def _init():
        out_ref[...] = part

    @pl.when(b > 0)
    def _acc():
        out_ref[...] += part


def _tc_main(inp, tgt, idx3):
    return pl.pallas_call(
        _tc_body,
        grid=(NB_TC,),
        in_specs=[
            pl.BlockSpec((R, D), lambda b: (b + TC_OFF, 0)),
            pl.BlockSpec((R, D), lambda b: (b + TC_OFF, 0)),
            pl.BlockSpec((1, 1, R), lambda b: (b + TC_OFF, 0, 0)),
        ],
        out_specs=pl.BlockSpec((NSEG, D), lambda b: (0, 0)),
        out_shape=jax.ShapeDtypeStruct((NSEG, D), jnp.float32),
    )(inp, tgt, idx3)


def _finish_body(p_sc_ref, p_tc_ref, idx_ref, o_ref):
    idx = idx_ref[...]
    acc = jnp.float32(0.0)
    for s in range(NSEG):
        ssum = (jnp.sum(p_sc_ref[:, s * L:(s + 1) * L])
                + jnp.sum(p_tc_ref[s:s + 1, :]))
        scnt = jnp.sum((idx == s).astype(jnp.float32))
        acc = acc + ssum / jnp.maximum(scnt, 1.0)
    o_ref[...] = jnp.full((1, 1), acc / (NSEG * D), jnp.float32)


def _finish(part_sc, part_tc, idx2):
    return pl.pallas_call(
        _finish_body,
        out_shape=jax.ShapeDtypeStruct((1, 1), jnp.float32),
    )(part_sc, part_tc, idx2)


def kernel(input, target, batch_idx):
    idx32 = batch_idx.astype(jnp.int32)
    idx3 = idx32.reshape(N // R, 1, R)
    idx2 = idx32.reshape(N // 128, 128)
    part_sc = _stage1(input, target, idx32)
    part_tc = _tc_main(input, target, idx3)
    return _finish(part_sc, part_tc, idx2)[0, 0]

# --- scband reference (transcript-rebuilt; emitter-appended) ---
"""Pipeline reference for scband-mseloss-4234837754053 (READ-ONLY COPY).

The authoritative reference and input builder live on the scoring server;
editing this copy changes nothing except your own understanding.
"""

import jax, jax.numpy as jnp
import numpy as np

N = 32768
D = 256
NUM_SEGMENTS = 16

def setup_inputs(seed: int = 0) -> dict:
    key = jax.random.key(seed)
    k1, k2, k3 = jax.random.split(key, 3)
    inp = jax.random.normal(k1, (N, D), dtype=jnp.float32)
    tgt = jax.random.normal(k2, (N, D), dtype=jnp.float32)
    batch_idx = jnp.sort(jax.random.randint(k3, (N,), 0, NUM_SEGMENTS, dtype=jnp.int64))
    return {"input": inp, "target": tgt, "batch_idx": batch_idx}

def reference(input, target, batch_idx):
    diff = input - target
    sq = jnp.square(diff)
    # scatter(..., reduce='mean') over dim 0: per-segment row mean
    seg_sum = jax.ops.segment_sum(sq, batch_idx, num_segments=NUM_SEGMENTS)
    counts = jax.ops.segment_sum(jnp.ones((sq.shape[0],), dtype=sq.dtype), batch_idx, num_segments=NUM_SEGMENTS)
    counts = jnp.maximum(counts, 1.0)
    loss = seg_sum / counts[:, None]  # [NUM_SEGMENTS, D]
    # reduction='mean'
    return jnp.mean(loss)

if __name__ == "__main__":
    import jax
    _d = setup_inputs()
    print(jax.jit(kernel)(*tuple(_d.values())))

</pallas_src>

<mosaic_0001>
#map = affine_map<(d0, d1) -> (0, 0)>
#map1 = affine_map<(d0, d1) -> (0)>
module attributes {stable_mosaic.version = 14 : i64} {
  func.func @_stage1_body(%arg0: i32, %arg1: i32, %arg2: memref<32768x256xf32, #tpu.memory_space<hbm>>, %arg3: memref<32768x256xf32, #tpu.memory_space<hbm>>, %arg4: memref<32768xi32, #tpu.memory_space<hbm>>, %arg5: memref<32x256xf32, #tpu.memory_space<hbm>>, %arg6: memref<2x64x256xf32, #tpu.memory_space<vmem>>, %arg7: memref<2x64x256xf32, #tpu.memory_space<vmem>>, %arg8: memref<256xi32, #tpu.memory_space<vmem>>, %arg9: memref<256xf32, #tpu.memory_space<vmem>>, %arg10: memref<2x!tpu.dma_semaphore, #tpu.memory_space<semaphore_mem>>, %arg11: memref<2x!tpu.dma_semaphore, #tpu.memory_space<semaphore_mem>>) attributes {dimension_semantics = [#tpu.dimension_semantics<core_parallel>, #tpu.dimension_semantics<subcore_parallel>], iteration_bounds = array<i64: 2, 16>, scalar_prefetch = 0 : i64, scratch_operands = 6 : i64, tpu.core_type = #tpu.core_type<sc_vector_subcore>, window_params = [{transform_indices = #map}, {transform_indices = #map}, {transform_indices = #map1}, {transform_indices = #map}]} {
    %mul3A = arith.constant 2 : i32
    %mul3A_0 = arith.muli %arg1, %mul3A : i32
    %add3A = arith.addi %mul3A_0, %arg0 : i32
    %mul3A_1 = arith.constant 256 : i32
    %mul3A_2 = arith.muli %add3A, %mul3A_1 : i32
    %iota3A = tpu.iota {dimensions = array<i32: 0>} : vector<16xi32>
    %broadcast_in_dim3A = arith.constant 0.000000e+00 : f32
    %broadcast_in_dim3A_3 = vector.broadcast %broadcast_in_dim3A : f32 to vector<16xf32>
    %add3A_4 = arith.constant 0 : i32
    %add3A_5 = arith.addi %mul3A_2, %add3A_4 : i32
    %dma_start3A = arith.constant 0 : i32
    %dma_start3A_6 = arith.constant 0 : i32
    %dma_start3A_7 = arith.constant 0 : i32
    %dma_start3A_8 = arith.constant 0 : i32
    %dma_start3A_9 = tpu.memref_slice %arg6[%dma_start3A, %dma_start3A_7, %dma_start3A_8] : memref<2x64x256xf32, #tpu.memory_space<vmem>> -> memref<1x64x256xf32, #tpu.memory_space<vmem>>
    %dma_start3A_10 = tpu.memref_squeeze %dma_start3A_9 : memref<1x64x256xf32, #tpu.memory_space<vmem>> -> memref<64x256xf32, #tpu.memory_space<vmem>>
    %dma_start3A_11 = arith.constant 0 : i32
    %dma_start3A_12 = tpu.memref_slice %arg2[%add3A_5, %dma_start3A_11] : memref<32768x256xf32, #tpu.memory_space<hbm>> -> memref<64x256xf32, #tpu.memory_space<hbm>>
    %dma_start3A_13 = tpu.memref_slice %arg10[%dma_start3A_6] : memref<2x!tpu.dma_semaphore, #tpu.memory_space<semaphore_mem>> -> memref<1x!tpu.dma_semaphore, #tpu.memory_space<semaphore_mem>>
    %dma_start3A_14 = tpu.memref_squeeze %dma_start3A_13 : memref<1x!tpu.dma_semaphore, #tpu.memory_space<semaphore_mem>> -> memref<!tpu.dma_semaphore, #tpu.memory_space<semaphore_mem>>
    %dma_start3A_15 = arith.constant 0 : i32
    %dma_start3A_16 = arith.constant 0 : i32
    %dma_start3A_17 = tpu.memref_slice %arg6[%dma_start3A, %dma_start3A_15, %dma_start3A_16] : memref<2x64x256xf32, #tpu.memory_space<vmem>> -> memref<1x64x256xf32, #tpu.memory_space<vmem>>
    %dma_start3A_18 = tpu.memref_squeeze %dma_start3A_17 : memref<1x64x256xf32, #tpu.memory_space<vmem>> -> memref<64x256xf32, #tpu.memory_space<vmem>>
    %dma_start3A_19 = arith.constant 0 : i32
    %dma_start3A_20 = tpu.memref_slice %arg2[%add3A_5, %dma_start3A_19] : memref<32768x256xf32, #tpu.memory_space<hbm>> -> memref<64x256xf32, #tpu.memory_space<hbm>>
    tpu.enqueue_dma source(%dma_start3A_20 : memref<64x256xf32, #tpu.memory_space<hbm>>) target(%dma_start3A_18 : memref<64x256xf32, #tpu.memory_space<vmem>>) target_semaphore(%dma_start3A_14 : memref<!tpu.dma_semaphore, #tpu.memory_space<semaphore_mem>>)
    %dma_start3A_21 = arith.constant 0 : i32
    %dma_start3A_22 = arith.constant 0 : i32
    %dma_start3A_23 = arith.constant 0 : i32
    %dma_start3A_24 = arith.constant 0 : i32
    %dma_start3A_25 = tpu.memref_slice %arg7[%dma_start3A_21, %dma_start3A_23, %dma_start3A_24] : memref<2x64x256xf32, #tpu.memory_space<vmem>> -> memref<1x64x256xf32, #tpu.memory_space<vmem>>
    %dma_start3A_26 = tpu.memref_squeeze %dma_start3A_25 : memref<1x64x256xf32, #tpu.memory_space<vmem>> -> memref<64x256xf32, #tpu.memory_space<vmem>>
    %dma_start3A_27 = arith.constant 0 : i32
    %dma_start3A_28 = tpu.memref_slice %arg3[%add3A_5, %dma_start3A_27] : memref<32768x256xf32, #tpu.memory_space<hbm>> -> memref<64x256xf32, #tpu.memory_space<hbm>>
    %dma_start3A_29 = tpu.memref_slice %arg11[%dma_start3A_22] : memref<2x!tpu.dma_semaphore, #tpu.memory_space<semaphore_mem>> -> memref<1x!tpu.dma_semaphore, #tpu.memory_space<semaphore_mem>>
    %dma_start3A_30 = tpu.memref_squeeze %dma_start3A_29 : memref<1x!tpu.dma_semaphore, #tpu.memory_space<semaphore_mem>> -> memref<!tpu.dma_semaphore, #tpu.memory_space<semaphore_mem>>
    %dma_start3A_31 = arith.constant 0 : i32
    %dma_start3A_32 = arith.constant 0 : i32
    %dma_start3A_33 = tpu.memref_slice %arg7[%dma_start3A_21, %dma_start3A_31, %dma_start3A_32] : memref<2x64x256xf32, #tpu.memory_space<vmem>> -> memref<1x64x256xf32, #tpu.memory_space<vmem>>
    %dma_start3A_34 = tpu.memref_squeeze %dma_start3A_33 : memref<1x64x256xf32, #tpu.memory_space<vmem>> -> memref<64x256xf32, #tpu.memory_space<vmem>>
    %dma_start3A_35 = arith.constant 0 : i32
    %dma_start3A_36 = tpu.memref_slice %arg3[%add3A_5, %dma_start3A_35] : memref<32768x256xf32, #tpu.memory_space<hbm>> -> memref<64x256xf32, #tpu.memory_space<hbm>>
    tpu.enqueue_dma source(%dma_start3A_36 : memref<64x256xf32, #tpu.memory_space<hbm>>) target(%dma_start3A_34 : memref<64x256xf32, #tpu.memory_space<vmem>>) target_semaphore(%dma_start3A_30 : memref<!tpu.dma_semaphore, #tpu.memory_space<semaphore_mem>>)
    %add3A_37 = arith.constant 64 : i32
    %add3A_38 = arith.addi %mul3A_2, %add3A_37 : i32
    %dma_start3A_39 = arith.constant 1 : i32
    %dma_start3A_40 = arith.constant 1 : i32
    %dma_start3A_41 = arith.constant 0 : i32
    %dma_start3A_42 = arith.constant 0 : i32
    %dma_start3A_43 = tpu.memref_slice %arg6[%dma_start3A_39, %dma_start3A_41, %dma_start3A_42] : memref<2x64x256xf32, #tpu.memory_space<vmem>> -> memref<1x64x256xf32, #tpu.memory_space<vmem>>
    %dma_start3A_44 = tpu.memref_squeeze %dma_start3A_43 : memref<1x64x256xf32, #tpu.memory_space<vmem>> -> memref<64x256xf32, #tpu.memory_space<vmem>>
    %dma_start3A_45 = arith.constant 0 : i32
    %dma_start3A_46 = tpu.memref_slice %arg2[%add3A_38, %dma_start3A_45] : memref<32768x256xf32, #tpu.memory_space<hbm>> -> memref<64x256xf32, #tpu.memory_space<hbm>>
    %dma_start3A_47 = tpu.memref_slice %arg10[%dma_start3A_40] : memref<2x!tpu.dma_semaphore, #tpu.memory_space<semaphore_mem>> -> memref<1x!tpu.dma_semaphore, #tpu.memory_space<semaphore_mem>>
    %dma_start3A_48 = tpu.memref_squeeze %dma_start3A_47 : memref<1x!tpu.dma_semaphore, #tpu.memory_space<semaphore_mem>> -> memref<!tpu.dma_semaphore, #tpu.memory_space<semaphore_mem>>
    %dma_start3A_49 = arith.constant 0 : i32
    %dma_start3A_50 = arith.constant 0 : i32
    %dma_start3A_51 = tpu.memref_slice %arg6[%dma_start3A_39, %dma_start3A_49, %dma_start3A_50] : memref<2x64x256xf32, #tpu.memory_space<vmem>> -> memref<1x64x256xf32, #tpu.memory_space<vmem>>
    %dma_start3A_52 = tpu.memref_squeeze %dma_start3A_51 : memref<1x64x256xf32, #tpu.memory_space<vmem>> -> memref<64x256xf32, #tpu.memory_space<vmem>>
    %dma_start3A_53 = arith.constant 0 : i32
    %dma_start3A_54 = tpu.memref_slice %arg2[%add3A_38, %dma_start3A_53] : memref<32768x256xf32, #tpu.memory_space<hbm>> -> memref<64x256xf32, #tpu.memory_space<hbm>>
    tpu.enqueue_dma source(%dma_start3A_54 : memref<64x256xf32, #tpu.memory_space<hbm>>) target(%dma_start3A_52 : memref<64x256xf32, #tpu.memory_space<vmem>>) target_semaphore(%dma_start3A_48 : memref<!tpu.dma_semaphore, #tpu.memory_space<semaphore_mem>>)
    %dma_start3A_55 = arith.constant 1 : i32
    %dma_start3A_56 = arith.constant 1 : i32
    %dma_start3A_57 = arith.constant 0 : i32
    %dma_start3A_58 = arith.constant 0 : i32
    %dma_start3A_59 = tpu.memref_slice %arg7[%dma_start3A_55, %dma_start3A_57, %dma_start3A_58] : memref<2x64x256xf32, #tpu.memory_space<vmem>> -> memref<1x64x256xf32, #tpu.memory_space<vmem>>
    %dma_start3A_60 = tpu.memref_squeeze %dma_start3A_59 : memref<1x64x256xf32, #tpu.memory_space<vmem>> -> memref<64x256xf32, #tpu.memory_space<vmem>>
    %dma_start3A_61 = arith.constant 0 : i32
    %dma_start3A_62 = tpu.memref_slice %arg3[%add3A_38, %dma_start3A_61] : memref<32768x256xf32, #tpu.memory_space<hbm>> -> memref<64x256xf32, #tpu.memory_space<hbm>>
    %dma_start3A_63 = tpu.memref_slice %arg11[%dma_start3A_56] : memref<2x!tpu.dma_semaphore, #tpu.memory_space<semaphore_mem>> -> memref<1x!tpu.dma_semaphore, #tpu.memory_space<semaphore_mem>>
    %dma_start3A_64 = tpu.memref_squeeze %dma_start3A_63 : memref<1x!tpu.dma_semaphore, #tpu.memory_space<semaphore_mem>> -> memref<!tpu.dma_semaphore, #tpu.memory_space<semaphore_mem>>
    %dma_start3A_65 = arith.constant 0 : i32
    %dma_start3A_66 = arith.constant 0 : i32
    %dma_start3A_67 = tpu.memref_slice %arg7[%dma_start3A_55, %dma_start3A_65, %dma_start3A_66] : memref<2x64x256xf32, #tpu.memory_space<vmem>> -> memref<1x64x256xf32, #tpu.memory_space<vmem>>
    %dma_start3A_68 = tpu.memref_squeeze %dma_start3A_67 : memref<1x64x256xf32, #tpu.memory_space<vmem>> -> memref<64x256xf32, #tpu.memory_space<vmem>>
    %dma_start3A_69 = arith.constant 0 : i32
    %dma_start3A_70 = tpu.memref_slice %arg3[%add3A_38, %dma_start3A_69] : memref<32768x256xf32, #tpu.memory_space<hbm>> -> memref<64x256xf32, #tpu.memory_space<hbm>>
    tpu.enqueue_dma source(%dma_start3A_70 : memref<64x256xf32, #tpu.memory_space<hbm>>) target(%dma_start3A_68 : memref<64x256xf32, #tpu.memory_space<vmem>>) target_semaphore(%dma_start3A_64 : memref<!tpu.dma_semaphore, #tpu.memory_space<semaphore_mem>>)
    %swap3A = arith.constant 0 : index
    %swap3A_71 = tpu.vector_load %arg9[%swap3A] {strides = array<i32>} : memref<256xf32, #tpu.memory_space<vmem>>, vector<16xf32>,
    tpu.vector_store %arg9[%swap3A], %broadcast_in_dim3A_3 {strides = array<i32>} : memref<256xf32, #tpu.memory_space<vmem>>, vector<16xf32>,
    %swap3A_72 = arith.constant 16 : index
    %swap3A_73 = tpu.vector_load %arg9[%swap3A_72] {strides = array<i32>} : memref<256xf32, #tpu.memory_space<vmem>>, vector<16xf32>,
    tpu.vector_store %arg9[%swap3A_72], %broadcast_in_dim3A_3 {strides = array<i32>} : memref<256xf32, #tpu.memory_space<vmem>>, vector<16xf32>,
    %swap3A_74 = arith.constant 32 : index
    %swap3A_75 = tpu.vector_load %arg9[%swap3A_74] {strides = array<i32>} : memref<256xf32, #tpu.memory_space<vmem>>, vector<16xf32>,
    tpu.vector_store %arg9[%swap3A_74], %broadcast_in_dim3A_3 {strides = array<i32>} : memref<256xf32, #tpu.memory_space<vmem>>, vector<16xf32>,
    %swap3A_76 = arith.constant 48 : index
    %swap3A_77 = tpu.vector_load %arg9[%swap3A_76] {strides = array<i32>} : memref<256xf32, #tpu.memory_space<vmem>>, vector<16xf32>,
    tpu.vector_store %arg9[%swap3A_76], %broadcast_in_dim3A_3 {strides = array<i32>} : memref<256xf32, #tpu.memory_space<vmem>>, vector<16xf32>,
    %swap3A_78 = arith.constant 64 : index
    %swap3A_79 = tpu.vector_load %arg9[%swap3A_78] {strides = array<i32>} : memref<256xf32, #tpu.memory_space<vmem>>, vector<16xf32>,
    tpu.vector_store %arg9[%swap3A_78], %broadcast_in_dim3A_3 {strides = array<i32>} : memref<256xf32, #tpu.memory_space<vmem>>, vector<16xf32>,
    %swap3A_80 = arith.constant 80 : index
    %swap3A_81 = tpu.vector_load %arg9[%swap3A_80] {strides = array<i32>} : memref<256xf32, #tpu.memory_space<vmem>>, vector<16xf32>,
    tpu.vector_store %arg9[%swap3A_80], %broadcast_in_dim3A_3 {strides = array<i32>} : memref<256xf32, #tpu.memory_space<vmem>>, vector<16xf32>,
    %swap3A_82 = arith.constant 96 : index
    %swap3A_83 = tpu.vector_load %arg9[%swap3A_82] {strides = array<i32>} : memref<256xf32, #tpu.memory_space<vmem>>, vector<16xf32>,
    tpu.vector_store %arg9[%swap3A_82], %broadcast_in_dim3A_3 {strides = array<i32>} : memref<256xf32, #tpu.memory_space<vmem>>, vector<16xf32>,
    %swap3A_84 = arith.constant 112 : index
    %swap3A_85 = tpu.vector_load %arg9[%swap3A_84] {strides = array<i32>} : memref<256xf32, #tpu.memory_space<vmem>>, vector<16xf32>,
    tpu.vector_store %arg9[%swap3A_84], %broadcast_in_dim3A_3 {strides = array<i32>} : memref<256xf32, #tpu.memory_space<vmem>>, vector<16xf32>,
    %swap3A_86 = arith.constant 128 : index
    %swap3A_87 = tpu.vector_load %arg9[%swap3A_86] {strides = array<i32>} : memref<256xf32, #tpu.memory_space<vmem>>, vector<16xf32>,
    tpu.vector_store %arg9[%swap3A_86], %broadcast_in_dim3A_3 {strides = array<i32>} : memref<256xf32, #tpu.memory_space<vmem>>, vector<16xf32>,
    %swap3A_88 = arith.constant 144 : index
    %swap3A_89 = tpu.vector_load %arg9[%swap3A_88] {strides = array<i32>} : memref<256xf32, #tpu.memory_space<vmem>>, vector<16xf32>,
    tpu.vector_store %arg9[%swap3A_88], %broadcast_in_dim3A_3 {strides = array<i32>} : memref<256xf32, #tpu.memory_space<vmem>>, vector<16xf32>,
    %swap3A_90 = arith.constant 160 : index
    %swap3A_91 = tpu.vector_load %arg9[%swap3A_90] {strides = array<i32>} : memref<256xf32, #tpu.memory_space<vmem>>, vector<16xf32>,
    tpu.vector_store %arg9[%swap3A_90], %broadcast_in_dim3A_3 {strides = array<i32>} : memref<256xf32, #tpu.memory_space<vmem>>, vector<16xf32>,
    %swap3A_92 = arith.constant 176 : index
    %swap3A_93 = tpu.vector_load %arg9[%swap3A_92] {strides = array<i32>} : memref<256xf32, #tpu.memory_space<vmem>>, vector<16xf32>,
    tpu.vector_store %arg9[%swap3A_92], %broadcast_in_dim3A_3 {strides = array<i32>} : memref<256xf32, #tpu.memory_space<vmem>>, vector<16xf32>,
    %swap3A_94 = arith.constant 192 : index
    %swap3A_95 = tpu.vector_load %arg9[%swap3A_94] {strides = array<i32>} : memref<256xf32, #tpu.memory_space<vmem>>, vector<16xf32>,
    tpu.vector_store %arg9[%swap3A_94], %broadcast_in_dim3A_3 {strides = array<i32>} : memref<256xf32, #tpu.memory_space<vmem>>, vector<16xf32>,
    %swap3A_96 = arith.constant 208 : index
    %swap3A_97 = tpu.vector_load %arg9[%swap3A_96] {strides = array<i32>} : memref<256xf32, #tpu.memory_space<vmem>>, vector<16xf32>,
    tpu.vector_store %arg9[%swap3A_96], %broadcast_in_dim3A_3 {strides = array<i32>} : memref<256xf32, #tpu.memory_space<vmem>>, vector<16xf32>,
    %swap3A_98 = arith.constant 224 : index
    %swap3A_99 = tpu.vector_load %arg9[%swap3A_98] {strides = array<i32>} : memref<256xf32, #tpu.memory_space<vmem>>, vector<16xf32>,
    tpu.vector_store %arg9[%swap3A_98], %broadcast_in_dim3A_3 {strides = array<i32>} : memref<256xf32, #tpu.memory_space<vmem>>, vector<16xf32>,
    %swap3A_100 = arith.constant 240 : index
    %swap3A_101 = tpu.vector_load %arg9[%swap3A_100] {strides = array<i32>} : memref<256xf32, #tpu.memory_space<vmem>>, vector<16xf32>,
    tpu.vector_store %arg9[%swap3A_100], %broadcast_in_dim3A_3 {strides = array<i32>} : memref<256xf32, #tpu.memory_space<vmem>>, vector<16xf32>,
    "tpu.region"() ({
      %run_scoped3A = tpu.sem_alloc : memref<!tpu.dma_semaphore, #tpu.memory_space<semaphore_mem>>
      %dma_start3A_108 = tpu.memref_slice %arg4[%mul3A_2] : memref<32768xi32, #tpu.memory_space<hbm>> -> memref<256xi32, #tpu.memory_space<hbm>>
      %dma_start3A_109 = tpu.memref_slice %arg4[%mul3A_2] : memref<32768xi32, #tpu.memory_space<hbm>> -> memref<256xi32, #tpu.memory_space<hbm>>
      tpu.enqueue_dma source(%dma_start3A_109 : memref<256xi32, #tpu.memory_space<hbm>>) target(%arg8 : memref<256xi32, #tpu.memory_space<vmem>>) target_semaphore(%run_scoped3A : memref<!tpu.dma_semaphore, #tpu.memory_space<semaphore_mem>>)
      %dma_wait3A = tpu.memref_slice %arg4[%mul3A_2] : memref<32768xi32, #tpu.memory_space<hbm>> -> memref<256xi32, #tpu.memory_space<hbm>>
      %dma_wait3A_110 = tpu.memref_slice %arg4[%mul3A_2] : memref<32768xi32, #tpu.memory_space<hbm>> -> memref<256xi32, #tpu.memory_space<hbm>>
      tpu.wait_dma2 semaphore(%run_scoped3A : memref<!tpu.dma_semaphore, #tpu.memory_space<semaphore_mem>>) src(%dma_wait3A_110 : memref<256xi32, #tpu.memory_space<hbm>>) dst(%arg8 : memref<256xi32, #tpu.memory_space<vmem>>)
      tpu.yield
    }) : () -> ()
    %scan3A = arith.constant 0 : i32
    %scan3A_102 = arith.constant 0 : i32
    %scan3A_103 = arith.constant 2 : i32
    %scan3A_104 = arith.addi %scan3A_102, %scan3A_103 : i32
    %scan3A_105 = arith.constant 1 : i32
    %scan3A_106 = scf.for %scan3A_108 = %scan3A_102 to %scan3A_104 step %scan3A_105 iter_args(%scan3A_109 = %scan3A) -> (i32)  : i32 {
      %mul3A_110 = arith.constant 2 : i32
      %mul3A_111 = arith.muli %scan3A_108, %mul3A_110 : i32
      %mul3A_112 = arith.constant 64 : i32
      %mul3A_113 = arith.muli %mul3A_111, %mul3A_112 : i32
      %add3A_114 = arith.addi %mul3A_2, %mul3A_113 : i32
      %dma_wait3A = arith.constant 0 : i32
      %dma_wait3A_115 = arith.constant 0 : i32
      %dma_wait3A_116 = arith.constant 0 : i32
      %dma_wait3A_117 = arith.constant 0 : i32
      %dma_wait3A_118 = tpu.memref_slice %arg6[%dma_wait3A, %dma_wait3A_116, %dma_wait3A_117] : memref<2x64x256xf32, #tpu.memory_space<vmem>> -> memref<1x64x256xf32, #tpu.memory_space<vmem>>
      %dma_wait3A_119 = tpu.memref_squeeze %dma_wait3A_118 : memref<1x64x256xf32, #tpu.memory_space<vmem>> -> memref<64x256xf32, #tpu.memory_space<vmem>>
      %dma_wait3A_120 = arith.constant 0 : i32
      %dma_wait3A_121 = tpu.memref_slice %arg2[%add3A_114, %dma_wait3A_120] : memref<32768x256xf32, #tpu.memory_space<hbm>> -> memref<64x256xf32, #tpu.memory_space<hbm>>
      %dma_wait3A_122 = tpu.memref_slice %arg10[%dma_wait3A_115] : memref<2x!tpu.dma_semaphore, #tpu.memory_space<semaphore_mem>> -> memref<1x!tpu.dma_semaphore, #tpu.memory_space<semaphore_mem>>
      %dma_wait3A_123 = tpu.memref_squeeze %dma_wait3A_122 : memref<1x!tpu.dma_semaphore, #tpu.memory_space<semaphore_mem>> -> memref<!tpu.dma_semaphore, #tpu.memory_space<semaphore_mem>>
      %dma_wait3A_124 = arith.constant 0 : i32
      %dma_wait3A_125 = arith.constant 0 : i32
      %dma_wait3A_126 = tpu.memref_slice %arg6[%dma_wait3A, %dma_wait3A_124, %dma_wait3A_125] : memref<2x64x256xf32, #tpu.memory_space<vmem>> -> memref<1x64x256xf32, #tpu.memory_space<vmem>>
      %dma_wait3A_127 = tpu.memref_squeeze %dma_wait3A_126 : memref<1x64x256xf32, #tpu.memory_space<vmem>> -> memref<64x256xf32, #tpu.memory_space<vmem>>
      %dma_wait3A_128 = arith.constant 0 : i32
      %dma_wait3A_129 = tpu.memref_slice %arg2[%add3A_114, %dma_wait3A_128] : memref<32768x256xf32, #tpu.memory_space<hbm>> -> memref<64x256xf32, #tpu.memory_space<hbm>>
      tpu.wait_dma2 semaphore(%dma_wait3A_123 : memref<!tpu.dma_semaphore, #tpu.memory_space<semaphore_mem>>) src(%dma_wait3A_129 : memref<64x256xf32, #tpu.memory_space<hbm>>) dst(%dma_wait3A_127 : memref<64x256xf32, #tpu.memory_space<vmem>>)
      %dma_wait3A_130 = arith.constant 0 : i32
      %dma_wait3A_131 = arith.constant 0 : i32
      %dma_wait3A_132 = arith.constant 0 : i32
      %dma_wait3A_133 = arith.constant 0 : i32
      %dma_wait3A_134 = tpu.memref_slice %arg7[%dma_wait3A_130, %dma_wait3A_132, %dma_wait3A_133] : memref<2x64x256xf32, #tpu.memory_space<vmem>> -> memref<1x64x256xf32, #tpu.memory_space<vmem>>
      %dma_wait3A_135 = tpu.memref_squeeze %dma_wait3A_134 : memref<1x64x256xf32, #tpu.memory_space<vmem>> -> memref<64x256xf32, #tpu.memory_space<vmem>>
      %dma_wait3A_136 = arith.constant 0 : i32
      %dma_wait3A_137 = tpu.memref_slice %arg3[%add3A_114, %dma_wait3A_136] : memref<32768x256xf32, #tpu.memory_space<hbm>> -> memref<64x256xf32, #tpu.memory_space<hbm>>
      %dma_wait3A_138 = tpu.memref_slice %arg11[%dma_wait3A_131] : memref<2x!tpu.dma_semaphore, #tpu.memory_space<semaphore_mem>> -> memref<1x!tpu.dma_semaphore, #tpu.memory_space<semaphore_mem>>
      %dma_wait3A_139 = tpu.memref_squeeze %dma_wait3A_138 : memref<1x!tpu.dma_semaphore, #tpu.memory_space<semaphore_mem>> -> memref<!tpu.dma_semaphore, #tpu.memory_space<semaphore_mem>>
      %dma_wait3A_140 = arith.constant 0 : i32
      %dma_wait3A_141 = arith.constant 0 : i32
      %dma_wait3A_142 = tpu.memref_slice %arg7[%dma_wait3A_130, %dma_wait3A_140, %dma_wait3A_141] : memref<2x64x256xf32, #tpu.memory_space<vmem>> -> memref<1x64x256xf32, #tpu.memory_space<vmem>>
      %dma_wait3A_143 = tpu.memref_squeeze %dma_wait3A_142 : memref<1x64x256xf32, #tpu.memory_space<vmem>> -> memref<64x256xf32, #tpu.memory_space<vmem>>
      %dma_wait3A_144 = arith.constant 0 : i32
      %dma_wait3A_145 = tpu.memref_slice %arg3[%add3A_114, %dma_wait3A_144] : memref<32768x256xf32, #tpu.memory_space<hbm>> -> memref<64x256xf32, #tpu.memory_space<hbm>>
      tpu.wait_dma2 semaphore(%dma_wait3A_139 : memref<!tpu.dma_semaphore, #tpu.memory_space<semaphore_mem>>) src(%dma_wait3A_145 : memref<64x256xf32, #tpu.memory_space<hbm>>) dst(%dma_wait3A_143 : memref<64x256xf32, #tpu.memory_space<vmem>>)
      %scan3A_146 = arith.constant 0 : i32
      %scan3A_147 = arith.constant 0 : i32
      %scan3A_148 = arith.constant 4 : i32
      %scan3A_149 = arith.addi %scan3A_147, %scan3A_148 : i32
      %scan3A_150 = arith.constant 1 : i32
      %scan3A_151 = scf.for %scan3A_211 = %scan3A_147 to %scan3A_149 step %scan3A_150 iter_args(%scan3A_212 = %scan3A_146) -> (i32)  : i32 {
        %mul3A_213 = arith.constant 64 : i32
        %mul3A_214 = arith.muli %mul3A_111, %mul3A_213 : i32
        %mul3A_215 = arith.constant 16 : i32
        %mul3A_216 = arith.muli %scan3A_211, %mul3A_215 : i32
        %add3A_217 = arith.addi %mul3A_214, %mul3A_216 : i32
        %get3A = arith.index_cast %add3A_217 : i32 to index
        %get3A_218 = tpu.vector_load %arg8[%get3A] {strides = array<i32>} : memref<256xi32, #tpu.memory_space<vmem>>, vector<16xi32>,
        %scan3A_219 = arith.constant 0 : i32
        %scan3A_220 = arith.constant 0 : i32
        %scan3A_221 = arith.constant 16 : i32
        %scan3A_222 = arith.addi %scan3A_220, %scan3A_221 : i32
        %scan3A_223 = arith.constant 1 : i32
        %scan3A_224 = scf.for %scan3A_227 = %scan3A_220 to %scan3A_222 step %scan3A_223 iter_args(%scan3A_228 = %scan3A_219) -> (i32)  : i32 {
          %mul3A_229 = arith.constant 16 : i32
          %mul3A_230 = arith.muli %scan3A_211, %mul3A_229 : i32
          %add3A_231 = arith.addi %mul3A_230, %scan3A_227 : i32
          %get3A_232 = arith.constant 0 : i32
          %get3A_233 = arith.index_cast %get3A_232 : i32 to index
          %get3A_234 = arith.index_cast %add3A_231 : i32 to index
          %get3A_235 = arith.constant 0 : index
          %get3A_236 = tpu.vector_load %arg6[%get3A_233, %get3A_234, %get3A_235] {strides = array<i32>} : memref<2x64x256xf32, #tpu.memory_space<vmem>>, vector<16xf32>,
          %get3A_237 = arith.constant 0 : i32
          %get3A_238 = arith.index_cast %get3A_237 : i32 to index
          %get3A_239 = arith.index_cast %add3A_231 : i32 to index
          %get3A_240 = arith.constant 0 : index
          %get3A_241 = tpu.vector_load %arg7[%get3A_238, %get3A_239, %get3A_240] {strides = array<i32>} : memref<2x64x256xf32, #tpu.memory_space<vmem>>, vector<16xf32>,
          %sub3A = arith.subf %get3A_236, %get3A_241 : vector<16xf32>
          %mul3A_242 = arith.mulf %sub3A, %sub3A : vector<16xf32>
          %add3A_243 = arith.addf %broadcast_in_dim3A_3, %mul3A_242 : vector<16xf32>
          %get3A_244 = arith.constant 0 : i32
          %get3A_245 = arith.index_cast %get3A_244 : i32 to index
          %get3A_246 = arith.index_cast %add3A_231 : i32 to index
          %get3A_247 = arith.constant 16 : index
          %get3A_248 = tpu.vector_load %arg6[%get3A_245, %get3A_246, %get3A_247] {strides = array<i32>} : memref<2x64x256xf32, #tpu.memory_space<vmem>>, vector<16xf32>,
          %get3A_249 = arith.constant 0 : i32
          %get3A_250 = arith.index_cast %get3A_249 : i32 to index
          %get3A_251 = arith.index_cast %add3A_231 : i32 to index
          %get3A_252 = arith.constant 16 : index
          %get3A_253 = tpu.vector_load %arg7[%get3A_250, %get3A_251, %get3A_252] {strides = array<i32>} : memref<2x64x256xf32, #tpu.memory_space<vmem>>, vector<16xf32>,
          %sub3A_254 = arith.subf %get3A_248, %get3A_253 : vector<16xf32>
          %mul3A_255 = arith.mulf %sub3A_254, %sub3A_254 : vector<16xf32>
          %add3A_256 = arith.addf %add3A_243, %mul3A_255 : vector<16xf32>
          %get3A_257 = arith.constant 0 : i32
          %get3A_258 = arith.index_cast %get3A_257 : i32 to index
          %get3A_259 = arith.index_cast %add3A_231 : i32 to index
          %get3A_260 = arith.constant 32 : index
          %get3A_261 = tpu.vector_load %arg6[%get3A_258, %get3A_259, %get3A_260] {strides = array<i32>} : memref<2x64x256xf32, #tpu.memory_space<vmem>>, vector<16xf32>,
          %get3A_262 = arith.constant 0 : i32
          %get3A_263 = arith.index_cast %get3A_262 : i32 to index
          %get3A_264 = arith.index_cast %add3A_231 : i32 to index
          %get3A_265 = arith.constant 32 : index
          %get3A_266 = tpu.vector_load %arg7[%get3A_263, %get3A_264, %get3A_265] {strides = array<i32>} : memref<2x64x256xf32, #tpu.memory_space<vmem>>, vector<16xf32>,
          %sub3A_267 = arith.subf %get3A_261, %get3A_266 : vector<16xf32>
          %mul3A_268 = arith.mulf %sub3A_267, %sub3A_267 : vector<16xf32>
          %add3A_269 = arith.addf %add3A_256, %mul3A_268 : vector<16xf32>
          %get3A_270 = arith.constant 0 : i32
          %get3A_271 = arith.index_cast %get3A_270 : i32 to index
          %get3A_272 = arith.index_cast %add3A_231 : i32 to index
          %get3A_273 = arith.constant 48 : index
          %get3A_274 = tpu.vector_load %arg6[%get3A_271, %get3A_272, %get3A_273] {strides = array<i32>} : memref<2x64x256xf32, #tpu.memory_space<vmem>>, vector<16xf32>,
          %get3A_275 = arith.constant 0 : i32
          %get3A_276 = arith.index_cast %get3A_275 : i32 to index
          %get3A_277 = arith.index_cast %add3A_231 : i32 to index
          %get3A_278 = arith.constant 48 : index
          %get3A_279 = tpu.vector_load %arg7[%get3A_276, %get3A_277, %get3A_278] {strides = array<i32>} : memref<2x64x256xf32, #tpu.memory_space<vmem>>, vector<16xf32>,
          %sub3A_280 = arith.subf %get3A_274, %get3A_279 : vector<16xf32>
          %mul3A_281 = arith.mulf %sub3A_280, %sub3A_280 : vector<16xf32>
          %add3A_282 = arith.addf %add3A_269, %mul3A_281 : vector<16xf32>
          %get3A_283 = arith.constant 0 : i32
          %get3A_284 = arith.index_cast %get3A_283 : i32 to index
          %get3A_285 = arith.index_cast %add3A_231 : i32 to index
          %get3A_286 = arith.constant 64 : index
          %get3A_287 = tpu.vector_load %arg6[%get3A_284, %get3A_285, %get3A_286] {strides = array<i32>} : memref<2x64x256xf32, #tpu.memory_space<vmem>>, vector<16xf32>,
          %get3A_288 = arith.constant 0 : i32
          %get3A_289 = arith.index_cast %get3A_288 : i32 to index
          %get3A_290 = arith.index_cast %add3A_231 : i32 to index
          %get3A_291 = arith.constant 64 : index
          %get3A_292 = tpu.vector_load %arg7[%get3A_289, %get3A_290, %get3A_291] {strides = array<i32>} : memref<2x64x256xf32, #tpu.memory_space<vmem>>, vector<16xf32>,
          %sub3A_293 = arith.subf %get3A_287, %get3A_292 : vector<16xf32>
          %mul3A_294 = arith.mulf %sub3A_293, %sub3A_293 : vector<16xf32>
          %add3A_295 = arith.addf %add3A_282, %mul3A_294 : vector<16xf32>
          %get3A_296 = arith.constant 0 : i32
          %get3A_297 = arith.index_cast %get3A_296 : i32 to index
          %get3A_298 = arith.index_cast %add3A_231 : i32 to index
          %get3A_299 = arith.constant 80 : index
          %get3A_300 = tpu.vector_load %arg6[%get3A_297, %get3A_298, %get3A_299] {strides = array<i32>} : memref<2x64x256xf32, #tpu.memory_space<vmem>>, vector<16xf32>,
          %get3A_301 = arith.constant 0 : i32
          %get3A_302 = arith.index_cast %get3A_301 : i32 to index
          %get3A_303 = arith.index_cast %add3A_231 : i32 to index
          %get3A_304 = arith.constant 80 : index
          %get3A_305 = tpu.vector_load %arg7[%get3A_302, %get3A_303, %get3A_304] {strides = array<i32>} : memref<2x64x256xf32, #tpu.memory_space<vmem>>, vector<16xf32>,
          %sub3A_306 = arith.subf %get3A_300, %get3A_305 : vector<16xf32>
          %mul3A_307 = arith.mulf %sub3A_306, %sub3A_306 : vector<16xf32>
          %add3A_308 = arith.addf %add3A_295, %mul3A_307 : vector<16xf32>
          %get3A_309 = arith.constant 0 : i32
          %get3A_310 = arith.index_cast %get3A_309 : i32 to index
          %get3A_311 = arith.index_cast %add3A_231 : i32 to index
          %get3A_312 = arith.constant 96 : index
          %get3A_313 = tpu.vector_load %arg6[%get3A_310, %get3A_311, %get3A_312] {strides = array<i32>} : memref<2x64x256xf32, #tpu.memory_space<vmem>>, vector<16xf32>,
          %get3A_314 = arith.constant 0 : i32
          %get3A_315 = arith.index_cast %get3A_314 : i32 to index
          %get3A_316 = arith.index_cast %add3A_231 : i32 to index
          %get3A_317 = arith.constant 96 : index
          %get3A_318 = tpu.vector_load %arg7[%get3A_315, %get3A_316, %get3A_317] {strides = array<i32>} : memref<2x64x256xf32, #tpu.memory_space<vmem>>, vector<16xf32>,
          %sub3A_319 = arith.subf %get3A_313, %get3A_318 : vector<16xf32>
          %mul3A_320 = arith.mulf %sub3A_319, %sub3A_319 : vector<16xf32>
          %add3A_321 = arith.addf %add3A_308, %mul3A_320 : vector<16xf32>
          %get3A_322 = arith.constant 0 : i32
          %get3A_323 = arith.index_cast %get3A_322 : i32 to index
          %get3A_324 = arith.index_cast %add3A_231 : i32 to index
          %get3A_325 = arith.constant 112 : index
          %get3A_326 = tpu.vector_load %arg6[%get3A_323, %get3A_324, %get3A_325] {strides = array<i32>} : memref<2x64x256xf32, #tpu.memory_space<vmem>>, vector<16xf32>,
          %get3A_327 = arith.constant 0 : i32
          %get3A_328 = arith.index_cast %get3A_327 : i32 to index
          %get3A_329 = arith.index_cast %add3A_231 : i32 to index
          %get3A_330 = arith.constant 112 : index
          %get3A_331 = tpu.vector_load %arg7[%get3A_328, %get3A_329, %get3A_330] {strides = array<i32>} : memref<2x64x256xf32, #tpu.memory_space<vmem>>, vector<16xf32>,
          %sub3A_332 = arith.subf %get3A_326, %get3A_331 : vector<16xf32>
          %mul3A_333 = arith.mulf %sub3A_332, %sub3A_332 : vector<16xf32>
          %add3A_334 = arith.addf %add3A_321, %mul3A_333 : vector<16xf32>
          %get3A_335 = arith.constant 0 : i32
          %get3A_336 = arith.index_cast %get3A_335 : i32 to index
          %get3A_337 = arith.index_cast %add3A_231 : i32 to index
          %get3A_338 = arith.constant 128 : index
          %get3A_339 = tpu.vector_load %arg6[%get3A_336, %get3A_337, %get3A_338] {strides = array<i32>} : memref<2x64x256xf32, #tpu.memory_space<vmem>>, vector<16xf32>,
          %get3A_340 = arith.constant 0 : i32
          %get3A_341 = arith.index_cast %get3A_340 : i32 to index
          %get3A_342 = arith.index_cast %add3A_231 : i32 to index
          %get3A_343 = arith.constant 128 : index
          %get3A_344 = tpu.vector_load %arg7[%get3A_341, %get3A_342, %get3A_343] {strides = array<i32>} : memref<2x64x256xf32, #tpu.memory_space<vmem>>, vector<16xf32>,
          %sub3A_345 = arith.subf %get3A_339, %get3A_344 : vector<16xf32>
          %mul3A_346 = arith.mulf %sub3A_345, %sub3A_345 : vector<16xf32>
          %add3A_347 = arith.addf %add3A_334, %mul3A_346 : vector<16xf32>
          %get3A_348 = arith.constant 0 : i32
          %get3A_349 = arith.index_cast %get3A_348 : i32 to index
          %get3A_350 = arith.index_cast %add3A_231 : i32 to index
          %get3A_351 = arith.constant 144 : index
          %get3A_352 = tpu.vector_load %arg6[%get3A_349, %get3A_350, %get3A_351] {strides = array<i32>} : memref<2x64x256xf32, #tpu.memory_space<vmem>>, vector<16xf32>,
          %get3A_353 = arith.constant 0 : i32
          %get3A_354 = arith.index_cast %get3A_353 : i32 to index
          %get3A_355 = arith.index_cast %add3A_231 : i32 to index
          %get3A_356 = arith.constant 144 : index
          %get3A_357 = tpu.vector_load %arg7[%get3A_354, %get3A_355, %get3A_356] {strides = array<i32>} : memref<2x64x256xf32, #tpu.memory_space<vmem>>, vector<16xf32>,
          %sub3A_358 = arith.subf %get3A_352, %get3A_357 : vector<16xf32>
          %mul3A_359 = arith.mulf %sub3A_358, %sub3A_358 : vector<16xf32>
          %add3A_360 = arith.addf %add3A_347, %mul3A_359 : vector<16xf32>
          %get3A_361 = arith.constant 0 : i32
          %get3A_362 = arith.index_cast %get3A_361 : i32 to index
          %get3A_363 = arith.index_cast %add3A_231 : i32 to index
          %get3A_364 = arith.constant 160 : index
          %get3A_365 = tpu.vector_load %arg6[%get3A_362, %get3A_363, %get3A_364] {strides = array<i32>} : memref<2x64x256xf32, #tpu.memory_space<vmem>>, vector<16xf32>,
          %get3A_366 = arith.constant 0 : i32
          %get3A_367 = arith.index_cast %get3A_366 : i32 to index
          %get3A_368 = arith.index_cast %add3A_231 : i32 to index
          %get3A_369 = arith.constant 160 : index
          %get3A_370 = tpu.vector_load %arg7[%get3A_367, %get3A_368, %get3A_369] {strides = array<i32>} : memref<2x64x256xf32, #tpu.memory_space<vmem>>, vector<16xf32>,
          %sub3A_371 = arith.subf %get3A_365, %get3A_370 : vector<16xf32>
          %mul3A_372 = arith.mulf %sub3A_371, %sub3A_371 : vector<16xf32>
          %add3A_373 = arith.addf %add3A_360, %mul3A_372 : vector<16xf32>
          %get3A_374 = arith.constant 0 : i32
          %get3A_375 = arith.index_cast %get3A_374 : i32 to index
          %get3A_376 = arith.index_cast %add3A_231 : i32 to index
          %get3A_377 = arith.constant 176 : index
          %get3A_378 = tpu.vector_load %arg6[%get3A_375, %get3A_376, %get3A_377] {strides = array<i32>} : memref<2x64x256xf32, #tpu.memory_space<vmem>>, vector<16xf32>,
          %get3A_379 = arith.constant 0 : i32
          %get3A_380 = arith.index_cast %get3A_379 : i32 to index
          %get3A_381 = arith.index_cast %add3A_231 : i32 to index
          %get3A_382 = arith.constant 176 : index
          %get3A_383 = tpu.vector_load %arg7[%get3A_380, %get3A_381, %get3A_382] {strides = array<i32>} : memref<2x64x256xf32, #tpu.memory_space<vmem>>, vector<16xf32>,
          %sub3A_384 = arith.subf %get3A_378, %get3A_383 : vector<16xf32>
          %mul3A_385 = arith.mulf %sub3A_384, %sub3A_384 : vector<16xf32>
          %add3A_386 = arith.addf %add3A_373, %mul3A_385 : vector<16xf32>
          %get3A_387 = arith.constant 0 : i32
          %get3A_388 = arith.index_cast %get3A_387 : i32 to index
          %get3A_389 = arith.index_cast %add3A_231 : i32 to index
          %get3A_390 = arith.constant 192 : index
          %get3A_391 = tpu.vector_load %arg6[%get3A_388, %get3A_389, %get3A_390] {strides = array<i32>} : memref<2x64x256xf32, #tpu.memory_space<vmem>>, vector<16xf32>,
          %get3A_392 = arith.constant 0 : i32
          %get3A_393 = arith.index_cast %get3A_392 : i32 to index
          %get3A_394 = arith.index_cast %add3A_231 : i32 to index
          %get3A_395 = arith.constant 192 : index
          %get3A_396 = tpu.vector_load %arg7[%get3A_393, %get3A_394, %get3A_395] {strides = array<i32>} : memref<2x64x256xf32, #tpu.memory_space<vmem>>, vector<16xf32>,
          %sub3A_397 = arith.subf %get3A_391, %get3A_396 : vector<16xf32>
          %mul3A_398 = arith.mulf %sub3A_397, %sub3A_397 : vector<16xf32>
          %add3A_399 = arith.addf %add3A_386, %mul3A_398 : vector<16xf32>
          %get3A_400 = arith.constant 0 : i32
          %get3A_401 = arith.index_cast %get3A_400 : i32 to index
          %get3A_402 = arith.index_cast %add3A_231 : i32 to index
          %get3A_403 = arith.constant 208 : index
          %get3A_404 = tpu.vector_load %arg6[%get3A_401, %get3A_402, %get3A_403] {strides = array<i32>} : memref<2x64x256xf32, #tpu.memory_space<vmem>>, vector<16xf32>,
          %get3A_405 = arith.constant 0 : i32
          %get3A_406 = arith.index_cast %get3A_405 : i32 to index
          %get3A_407 = arith.index_cast %add3A_231 : i32 to index
          %get3A_408 = arith.constant 208 : index
          %get3A_409 = tpu.vector_load %arg7[%get3A_406, %get3A_407, %get3A_408] {strides = array<i32>} : memref<2x64x256xf32, #tpu.memory_space<vmem>>, vector<16xf32>,
          %sub3A_410 = arith.subf %get3A_404, %get3A_409 : vector<16xf32>
          %mul3A_411 = arith.mulf %sub3A_410, %sub3A_410 : vector<16xf32>
          %add3A_412 = arith.addf %add3A_399, %mul3A_411 : vector<16xf32>
          %get3A_413 = arith.constant 0 : i32
          %get3A_414 = arith.index_cast %get3A_413 : i32 to index
          %get3A_415 = arith.index_cast %add3A_231 : i32 to index
          %get3A_416 = arith.constant 224 : index
          %get3A_417 = tpu.vector_load %arg6[%get3A_414, %get3A_415, %get3A_416] {strides = array<i32>} : memref<2x64x256xf32, #tpu.memory_space<vmem>>, vector<16xf32>,
          %get3A_418 = arith.constant 0 : i32
          %get3A_419 = arith.index_cast %get3A_418 : i32 to index
          %get3A_420 = arith.index_cast %add3A_231 : i32 to index
          %get3A_421 = arith.constant 224 : index
          %get3A_422 = tpu.vector_load %arg7[%get3A_419, %get3A_420, %get3A_421] {strides = array<i32>} : memref<2x64x256xf32, #tpu.memory_space<vmem>>, vector<16xf32>,
          %sub3A_423 = arith.subf %get3A_417, %get3A_422 : vector<16xf32>
          %mul3A_424 = arith.mulf %sub3A_423, %sub3A_423 : vector<16xf32>
          %add3A_425 = arith.addf %add3A_412, %mul3A_424 : vector<16xf32>
          %get3A_426 = arith.constant 0 : i32
          %get3A_427 = arith.index_cast %get3A_426 : i32 to index
          %get3A_428 = arith.index_cast %add3A_231 : i32 to index
          %get3A_429 = arith.constant 240 : index
          %get3A_430 = tpu.vector_load %arg6[%get3A_427, %get3A_428, %get3A_429] {strides = array<i32>} : memref<2x64x256xf32, #tpu.memory_space<vmem>>, vector<16xf32>,
          %get3A_431 = arith.constant 0 : i32
          %get3A_432 = arith.index_cast %get3A_431 : i32 to index
          %get3A_433 = arith.index_cast %add3A_231 : i32 to index
          %get3A_434 = arith.constant 240 : index
          %get3A_435 = tpu.vector_load %arg7[%get3A_432, %get3A_433, %get3A_434] {strides = array<i32>} : memref<2x64x256xf32, #tpu.memory_space<vmem>>, vector<16xf32>,
          %sub3A_436 = arith.subf %get3A_430, %get3A_435 : vector<16xf32>
          %mul3A_437 = arith.mulf %sub3A_436, %sub3A_436 : vector<16xf32>
          %add3A_438 = arith.addf %add3A_425, %mul3A_437 : vector<16xf32>
          %broadcast_in_dim3A_439 = vector.broadcast %scan3A_227 : i32 to vector<16xi32>
          %eq3A = arith.cmpi eq, %iota3A, %broadcast_in_dim3A_439 : vector<16xi32>
          %jit3A = arith.constant 0 : i32
          %broadcast_in_dim3A_440 = vector.broadcast %jit3A : i32 to vector<16xi32>
          %select_n3A = arith.select %eq3A, %get3A_218, %broadcast_in_dim3A_440 : vector<16xi1>, vector<16xi32>
          %reduce_sum3A = arith.constant true
          %reduce_sum3A_441 = vector.broadcast %reduce_sum3A : i1 to vector<16xi1>
          %reduce_sum3A_442 = tpu.scan <sum>, %select_n3A masked %reduce_sum3A_441 : vector<16xi32>, vector<16xi1> -> vector<16xi32>
          %reduce_sum3A_443 = vector.extract %reduce_sum3A_442[15] : i32 from vector<16xi32>
          %broadcast_in_dim3A_444 = vector.broadcast %reduce_sum3A_443 : i32 to vector<16xi32>
          %mul3A_445 = arith.constant 16 : i32
          %mul3A_446 = vector.broadcast %mul3A_445 : i32 to vector<16xi32>
          %mul3A_447 = arith.muli %broadcast_in_dim3A_444, %mul3A_446 : vector<16xi32>
          %add3A_448 = arith.addi %mul3A_447, %iota3A : vector<16xi32>
          tpu.vector_store_idx %arg9[%add3A_448], %add3A_438 {add = true} : memref<256xf32, #tpu.memory_space<vmem>>[vector<16xi32>], vector<16xf32>,
          %scan3A_449 = arith.constant 0 : i32
          scf.yield %scan3A_449 : i32
        }
        %scan3A_225 = arith.constant 16 : i32
        %scan3A_226 = arith.constant 0 : i32
        scf.yield %scan3A_226 : i32
      }
      %scan3A_152 = arith.constant 4 : i32
      %add3A_153 = arith.constant 2 : i32
      %add3A_154 = arith.addi %mul3A_111, %add3A_153 : i32
      %lt3A = arith.constant 4 : i32
      %lt3A_155 = arith.cmpi slt, %add3A_154, %lt3A : i32
      %convert_element_type3A = arith.extui %lt3A_155 : i1 to i32
      %cond3A = arith.constant 0 : i32
      %cond3A_156 = arith.cmpi ne, %convert_element_type3A, %cond3A : i32
      scf.if %cond3A_156 {
        %add3A_211 = arith.constant 2 : i32
        %add3A_212 = arith.addi %mul3A_111, %add3A_211 : i32
        %mul3A_213 = arith.constant 64 : i32
        %mul3A_214 = arith.muli %add3A_212, %mul3A_213 : i32
        %add3A_215 = arith.addi %mul3A_2, %mul3A_214 : i32
        %dma_start3A_216 = arith.constant 0 : i32
        %dma_start3A_217 = arith.constant 0 : i32
        %dma_start3A_218 = arith.constant 0 : i32
        %dma_start3A_219 = arith.constant 0 : i32
        %dma_start3A_220 = tpu.memref_slice %arg6[%dma_start3A_216, %dma_start3A_218, %dma_start3A_219] : memref<2x64x256xf32, #tpu.memory_space<vmem>> -> memref<1x64x256xf32, #tpu.memory_space<vmem>>
        %dma_start3A_221 = tpu.memref_squeeze %dma_start3A_220 : memref<1x64x256xf32, #tpu.memory_space<vmem>> -> memref<64x256xf32, #tpu.memory_space<vmem>>
        %dma_start3A_222 = arith.constant 0 : i32
        %dma_start3A_223 = tpu.memref_slice %arg2[%add3A_215, %dma_start3A_222] : memref<32768x256xf32, #tpu.memory_space<hbm>> -> memref<64x256xf32, #tpu.memory_space<hbm>>
        %dma_start3A_224 = tpu.memref_slice %arg10[%dma_start3A_217] : memref<2x!tpu.dma_semaphore, #tpu.memory_space<semaphore_mem>> -> memref<1x!tpu.dma_semaphore, #tpu.memory_space<semaphore_mem>>
        %dma_start3A_225 = tpu.memref_squeeze %dma_start3A_224 : memref<1x!tpu.dma_semaphore, #tpu.memory_space<semaphore_mem>> -> memref<!tpu.dma_semaphore, #tpu.memory_space<semaphore_mem>>
        %dma_start3A_226 = arith.constant 0 : i32
        %dma_start3A_227 = arith.constant 0 : i32
        %dma_start3A_228 = tpu.memref_slice %arg6[%dma_start3A_216, %dma_start3A_226, %dma_start3A_227] : memref<2x64x256xf32, #tpu.memory_space<vmem>> -> memref<1x64x256xf32, #tpu.memory_space<vmem>>
        %dma_start3A_229 = tpu.memref_squeeze %dma_start3A_228 : memref<1x64x256xf32, #tpu.memory_space<vmem>> -> memref<64x256xf32, #tpu.memory_space<vmem>>
        %dma_start3A_230 = arith.constant 0 : i32
        %dma_start3A_231 = tpu.memref_slice %arg2[%add3A_215, %dma_start3A_230] : memref<32768x256xf32, #tpu.memory_space<hbm>> -> memref<64x256xf32, #tpu.memory_space<hbm>>
        tpu.enqueue_dma source(%dma_start3A_231 : memref<64x256xf32, #tpu.memory_space<hbm>>) target(%dma_start3A_229 : memref<64x256xf32, #tpu.memory_space<vmem>>) target_semaphore(%dma_start3A_225 : memref<!tpu.dma_semaphore, #tpu.memory_space<semaphore_mem>>)
        %dma_start3A_232 = arith.constant 0 : i32
        %dma_start3A_233 = arith.constant 0 : i32
        %dma_start3A_234 = arith.constant 0 : i32
        %dma_start3A_235 = arith.constant 0 : i32
        %dma_start3A_236 = tpu.memref_slice %arg7[%dma_start3A_232, %dma_start3A_234, %dma_start3A_235] : memref<2x64x256xf32, #tpu.memory_space<vmem>> -> memref<1x64x256xf32, #tpu.memory_space<vmem>>
        %dma_start3A_237 = tpu.memref_squeeze %dma_start3A_236 : memref<1x64x256xf32, #tpu.memory_space<vmem>> -> memref<64x256xf32, #tpu.memory_space<vmem>>
        %dma_start3A_238 = arith.constant 0 : i32
        %dma_start3A_239 = tpu.memref_slice %arg3[%add3A_215, %dma_start3A_238] : memref<32768x256xf32, #tpu.memory_space<hbm>> -> memref<64x256xf32, #tpu.memory_space<hbm>>
        %dma_start3A_240 = tpu.memref_slice %arg11[%dma_start3A_233] : memref<2x!tpu.dma_semaphore, #tpu.memory_space<semaphore_mem>> -> memref<1x!tpu.dma_semaphore, #tpu.memory_space<semaphore_mem>>
        %dma_start3A_241 = tpu.memref_squeeze %dma_start3A_240 : memref<1x!tpu.dma_semaphore, #tpu.memory_space<semaphore_mem>> -> memref<!tpu.dma_semaphore, #tpu.memory_space<semaphore_mem>>
        %dma_start3A_242 = arith.constant 0 : i32
        %dma_start3A_243 = arith.constant 0 : i32
        %dma_start3A_244 = tpu.memref_slice %arg7[%dma_start3A_232, %dma_start3A_242, %dma_start3A_243] : memref<2x64x256xf32, #tpu.memory_space<vmem>> -> memref<1x64x256xf32, #tpu.memory_space<vmem>>
        %dma_start3A_245 = tpu.memref_squeeze %dma_start3A_244 : memref<1x64x256xf32, #tpu.memory_space<vmem>> -> memref<64x256xf32, #tpu.memory_space<vmem>>
        %dma_start3A_246 = arith.constant 0 : i32
        %dma_start3A_247 = tpu.memref_slice %arg3[%add3A_215, %dma_start3A_246] : memref<32768x256xf32, #tpu.memory_space<hbm>> -> memref<64x256xf32, #tpu.memory_space<hbm>>
        tpu.enqueue_dma source(%dma_start3A_247 : memref<64x256xf32, #tpu.memory_space<hbm>>) target(%dma_start3A_245 : memref<64x256xf32, #tpu.memory_space<vmem>>) target_semaphore(%dma_start3A_241 : memref<!tpu.dma_semaphore, #tpu.memory_space<semaphore_mem>>)
      } else {
      }
      %add3A_157 = arith.constant 1 : i32
      %add3A_158 = arith.addi %mul3A_111, %add3A_157 : i32
      %mul3A_159 = arith.constant 64 : i32
      %mul3A_160 = arith.muli %add3A_158, %mul3A_159 : i32
      %add3A_161 = arith.addi %mul3A_2, %mul3A_160 : i32
      %dma_wait3A_162 = arith.constant 1 : i32
      %dma_wait3A_163 = arith.constant 1 : i32
      %dma_wait3A_164 = arith.constant 0 : i32
      %dma_wait3A_165 = arith.constant 0 : i32
      %dma_wait3A_166 = tpu.memref_slice %arg6[%dma_wait3A_162, %dma_wait3A_164, %dma_wait3A_165] : memref<2x64x256xf32, #tpu.memory_space<vmem>> -> memref<1x64x256xf32, #tpu.memory_space<vmem>>
      %dma_wait3A_167 = tpu.memref_squeeze %dma_wait3A_166 : memref<1x64x256xf32, #tpu.memory_space<vmem>> -> memref<64x256xf32, #tpu.memory_space<vmem>>
      %dma_wait3A_168 = arith.constant 0 : i32
      %dma_wait3A_169 = tpu.memref_slice %arg2[%add3A_161, %dma_wait3A_168] : memref<32768x256xf32, #tpu.memory_space<hbm>> -> memref<64x256xf32, #tpu.memory_space<hbm>>
      %dma_wait3A_170 = tpu.memref_slice %arg10[%dma_wait3A_163] : memref<2x!tpu.dma_semaphore, #tpu.memory_space<semaphore_mem>> -> memref<1x!tpu.dma_semaphore, #tpu.memory_space<semaphore_mem>>
      %dma_wait3A_171 = tpu.memref_squeeze %dma_wait3A_170 : memref<1x!tpu.dma_semaphore, #tpu.memory_space<semaphore_mem>> -> memref<!tpu.dma_semaphore, #tpu.memory_space<semaphore_mem>>
      %dma_wait3A_172 = arith.constant 0 : i32
      %dma_wait3A_173 = arith.constant 0 : i32
      %dma_wait3A_174 = tpu.memref_slice %arg6[%dma_wait3A_162, %dma_wait3A_172, %dma_wait3A_173] : memref<2x64x256xf32, #tpu.memory_space<vmem>> -> memref<1x64x256xf32, #tpu.memory_space<vmem>>
      %dma_wait3A_175 = tpu.memref_squeeze %dma_wait3A_174 : memref<1x64x256xf32, #tpu.memory_space<vmem>> -> memref<64x256xf32, #tpu.memory_space<vmem>>
      %dma_wait3A_176 = arith.constant 0 : i32
      %dma_wait3A_177 = tpu.memref_slice %arg2[%add3A_161, %dma_wait3A_176] : memref<32768x256xf32, #tpu.memory_space<hbm>> -> memref<64x256xf32, #tpu.memory_space<hbm>>
      tpu.wait_dma2 semaphore(%dma_wait3A_171 : memref<!tpu.dma_semaphore, #tpu.memory_space<semaphore_mem>>) src(%dma_wait3A_177 : memref<64x256xf32, #tpu.memory_space<hbm>>) dst(%dma_wait3A_175 : memref<64x256xf32, #tpu.memory_space<vmem>>)
      %dma_wait3A_178 = arith.constant 1 : i32
      %dma_wait3A_179 = arith.constant 1 : i32
      %dma_wait3A_180 = arith.constant 0 : i32
      %dma_wait3A_181 = arith.constant 0 : i32
      %dma_wait3A_182 = tpu.memref_slice %arg7[%dma_wait3A_178, %dma_wait3A_180, %dma_wait3A_181] : memref<2x64x256xf32, #tpu.memory_space<vmem>> -> memref<1x64x256xf32, #tpu.memory_space<vmem>>
      %dma_wait3A_183 = tpu.memref_squeeze %dma_wait3A_182 : memref<1x64x256xf32, #tpu.memory_space<vmem>> -> memref<64x256xf32, #tpu.memory_space<vmem>>
      %dma_wait3A_184 = arith.constant 0 : i32
      %dma_wait3A_185 = tpu.memref_slice %arg3[%add3A_161, %dma_wait3A_184] : memref<32768x256xf32, #tpu.memory_space<hbm>> -> memref<64x256xf32, #tpu.memory_space<hbm>>
      %dma_wait3A_186 = tpu.memref_slice %arg11[%dma_wait3A_179] : memref<2x!tpu.dma_semaphore, #tpu.memory_space<semaphore_mem>> -> memref<1x!tpu.dma_semaphore, #tpu.memory_space<semaphore_mem>>
      %dma_wait3A_187 = tpu.memref_squeeze %dma_wait3A_186 : memref<1x!tpu.dma_semaphore, #tpu.memory_space<semaphore_mem>> -> memref<!tpu.dma_semaphore, #tpu.memory_space<semaphore_mem>>
      %dma_wait3A_188 = arith.constant 0 : i32
      %dma_wait3A_189 = arith.constant 0 : i32
      %dma_wait3A_190 = tpu.memref_slice %arg7[%dma_wait3A_178, %dma_wait3A_188, %dma_wait3A_189] : memref<2x64x256xf32, #tpu.memory_space<vmem>> -> memref<1x64x256xf32, #tpu.memory_space<vmem>>
      %dma_wait3A_191 = tpu.memref_squeeze %dma_wait3A_190 : memref<1x64x256xf32, #tpu.memory_space<vmem>> -> memref<64x256xf32, #tpu.memory_space<vmem>>
      %dma_wait3A_192 = arith.constant 0 : i32
      %dma_wait3A_193 = tpu.memref_slice %arg3[%add3A_161, %dma_wait3A_192] : memref<32768x256xf32, #tpu.memory_space<hbm>> -> memref<64x256xf32, #tpu.memory_space<hbm>>
      tpu.wait_dma2 semaphore(%dma_wait3A_187 : memref<!tpu.dma_semaphore, #tpu.memory_space<semaphore_mem>>) src(%dma_wait3A_193 : memref<64x256xf32, #tpu.memory_space<hbm>>) dst(%dma_wait3A_191 : memref<64x256xf32, #tpu.memory_space<vmem>>)
      %add3A_194 = arith.constant 1 : i32
      %add3A_195 = arith.addi %mul3A_111, %add3A_194 : i32
      %scan3A_196 = arith.constant 0 : i32
      %scan3A_197 = arith.constant 0 : i32
      %scan3A_198 = arith.constant 4 : i32
      %scan3A_199 = arith.addi %scan3A_197, %scan3A_198 : i32
      %scan3A_200 = arith.constant 1 : i32
      %scan3A_201 = scf.for %scan3A_211 = %scan3A_197 to %scan3A_199 step %scan3A_200 iter_args(%scan3A_212 = %scan3A_196) -> (i32)  : i32 {
        %mul3A_213 = arith.constant 64 : i32
        %mul3A_214 = arith.muli %add3A_195, %mul3A_213 : i32
        %mul3A_215 = arith.constant 16 : i32
        %mul3A_216 = arith.muli %scan3A_211, %mul3A_215 : i32
        %add3A_217 = arith.addi %mul3A_214, %mul3A_216 : i32
        %get3A = arith.index_cast %add3A_217 : i32 to index
        %get3A_218 = tpu.vector_load %arg8[%get3A] {strides = array<i32>} : memref<256xi32, #tpu.memory_space<vmem>>, vector<16xi32>,
        %scan3A_219 = arith.constant 0 : i32
        %scan3A_220 = arith.constant 0 : i32
        %scan3A_221 = arith.constant 16 : i32
        %scan3A_222 = arith.addi %scan3A_220, %scan3A_221 : i32
        %scan3A_223 = arith.constant 1 : i32
        %scan3A_224 = scf.for %scan3A_227 = %scan3A_220 to %scan3A_222 step %scan3A_223 iter_args(%scan3A_228 = %scan3A_219) -> (i32)  : i32 {
          %mul3A_229 = arith.constant 16 : i32
          %mul3A_230 = arith.muli %scan3A_211, %mul3A_229 : i32
          %add3A_231 = arith.addi %mul3A_230, %scan3A_227 : i32
          %get3A_232 = arith.constant 1 : i32
          %get3A_233 = arith.index_cast %get3A_232 : i32 to index
          %get3A_234 = arith.index_cast %add3A_231 : i32 to index
          %get3A_235 = arith.constant 0 : index
          %get3A_236 = tpu.vector_load %arg6[%get3A_233, %get3A_234, %get3A_235] {strides = array<i32>} : memref<2x64x256xf32, #tpu.memory_space<vmem>>, vector<16xf32>,
          %get3A_237 = arith.constant 1 : i32
          %get3A_238 = arith.index_cast %get3A_237 : i32 to index
          %get3A_239 = arith.index_cast %add3A_231 : i32 to index
          %get3A_240 = arith.constant 0 : index
          %get3A_241 = tpu.vector_load %arg7[%get3A_238, %get3A_239, %get3A_240] {strides = array<i32>} : memref<2x64x256xf32, #tpu.memory_space<vmem>>, vector<16xf32>,
          %sub3A = arith.subf %get3A_236, %get3A_241 : vector<16xf32>
          %mul3A_242 = arith.mulf %sub3A, %sub3A : vector<16xf32>
          %add3A_243 = arith.addf %broadcast_in_dim3A_3, %mul3A_242 : vector<16xf32>
          %get3A_244 = arith.constant 1 : i32
          %get3A_245 = arith.index_cast %get3A_244 : i32 to index
          %get3A_246 = arith.index_cast %add3A_231 : i32 to index
          %get3A_247 = arith.constant 16 : index
          %get3A_248 = tpu.vector_load %arg6[%get3A_245, %get3A_246, %get3A_247] {strides = array<i32>} : memref<2x64x256xf32, #tpu.memory_space<vmem>>, vector<16xf32>,
          %get3A_249 = arith.constant 1 : i32
          %get3A_250 = arith.index_cast %get3A_249 : i32 to index
          %get3A_251 = arith.index_cast %add3A_231 : i32 to index
          %get3A_252 = arith.constant 16 : index
          %get3A_253 = tpu.vector_load %arg7[%get3A_250, %get3A_251, %get3A_252] {strides = array<i32>} : memref<2x64x256xf32, #tpu.memory_space<vmem>>, vector<16xf32>,
          %sub3A_254 = arith.subf %get3A_248, %get3A_253 : vector<16xf32>
          %mul3A_255 = arith.mulf %sub3A_254, %sub3A_254 : vector<16xf32>
          %add3A_256 = arith.addf %add3A_243, %mul3A_255 : vector<16xf32>
          %get3A_257 = arith.constant 1 : i32
          %get3A_258 = arith.index_cast %get3A_257 : i32 to index
          %get3A_259 = arith.index_cast %add3A_231 : i32 to index
          %get3A_260 = arith.constant 32 : index
          %get3A_261 = tpu.vector_load %arg6[%get3A_258, %get3A_259, %get3A_260] {strides = array<i32>} : memref<2x64x256xf32, #tpu.memory_space<vmem>>, vector<16xf32>,
          %get3A_262 = arith.constant 1 : i32
          %get3A_263 = arith.index_cast %get3A_262 : i32 to index
          %get3A_264 = arith.index_cast %add3A_231 : i32 to index
          %get3A_265 = arith.constant 32 : index
          %get3A_266 = tpu.vector_load %arg7[%get3A_263, %get3A_264, %get3A_265] {strides = array<i32>} : memref<2x64x256xf32, #tpu.memory_space<vmem>>, vector<16xf32>,
          %sub3A_267 = arith.subf %get3A_261, %get3A_266 : vector<16xf32>
          %mul3A_268 = arith.mulf %sub3A_267, %sub3A_267 : vector<16xf32>
          %add3A_269 = arith.addf %add3A_256, %mul3A_268 : vector<16xf32>
          %get3A_270 = arith.constant 1 : i32
          %get3A_271 = arith.index_cast %get3A_270 : i32 to index
          %get3A_272 = arith.index_cast %add3A_231 : i32 to index
          %get3A_273 = arith.constant 48 : index
          %get3A_274 = tpu.vector_load %arg6[%get3A_271, %get3A_272, %get3A_273] {strides = array<i32>} : memref<2x64x256xf32, #tpu.memory_space<vmem>>, vector<16xf32>,
          %get3A_275 = arith.constant 1 : i32
          %get3A_276 = arith.index_cast %get3A_275 : i32 to index
          %get3A_277 = arith.index_cast %add3A_231 : i32 to index
          %get3A_278 = arith.constant 48 : index
          %get3A_279 = tpu.vector_load %arg7[%get3A_276, %get3A_277, %get3A_278] {strides = array<i32>} : memref<2x64x256xf32, #tpu.memory_space<vmem>>, vector<16xf32>,
          %sub3A_280 = arith.subf %get3A_274, %get3A_279 : vector<16xf32>
          %mul3A_281 = arith.mulf %sub3A_280, %sub3A_280 : vector<16xf32>
          %add3A_282 = arith.addf %add3A_269, %mul3A_281 : vector<16xf32>
          %get3A_283 = arith.constant 1 : i32
          %get3A_284 = arith.index_cast %get3A_283 : i32 to index
          %get3A_285 = arith.index_cast %add3A_231 : i32 to index
          %get3A_286 = arith.constant 64 : index
          %get3A_287 = tpu.vector_load %arg6[%get3A_284, %get3A_285, %get3A_286] {strides = array<i32>} : memref<2x64x256xf32, #tpu.memory_space<vmem>>, vector<16xf32>,
          %get3A_288 = arith.constant 1 : i32
          %get3A_289 = arith.index_cast %get3A_288 : i32 to index
          %get3A_290 = arith.index_cast %add3A_231 : i32 to index
          %get3A_291 = arith.constant 64 : index
          %get3A_292 = tpu.vector_load %arg7[%get3A_289, %get3A_290, %get3A_291] {strides = array<i32>} : memref<2x64x256xf32, #tpu.memory_space<vmem>>, vector<16xf32>,
          %sub3A_293 = arith.subf %get3A_287, %get3A_292 : vector<16xf32>
          %mul3A_294 = arith.mulf %sub3A_293, %sub3A_293 : vector<16xf32>
          %add3A_295 = arith.addf %add3A_282, %mul3A_294 : vector<16xf32>
          %get3A_296 = arith.constant 1 : i32
          %get3A_297 = arith.index_cast %get3A_296 : i32 to index
          %get3A_298 = arith.index_cast %add3A_231 : i32 to index
          %get3A_299 = arith.constant 80 : index
          %get3A_300 = tpu.vector_load %arg6[%get3A_297, %get3A_298, %get3A_299] {strides = array<i32>} : memref<2x64x256xf32, #tpu.memory_space<vmem>>, vector<16xf32>,
          %get3A_301 = arith.constant 1 : i32
          %get3A_302 = arith.index_cast %get3A_301 : i32 to index
          %get3A_303 = arith.index_cast %add3A_231 : i32 to index
          %get3A_304 = arith.constant 80 : index
          %get3A_305 = tpu.vector_load %arg7[%get3A_302, %get3A_303, %get3A_304] {strides = array<i32>} : memref<2x64x256xf32, #tpu.memory_space<vmem>>, vector<16xf32>,
          %sub3A_306 = arith.subf %get3A_300, %get3A_305 : vector<16xf32>
          %mul3A_307 = arith.mulf %sub3A_306, %sub3A_306 : vector<16xf32>
          %add3A_308 = arith.addf %add3A_295, %mul3A_307 : vector<16xf32>
          %get3A_309 = arith.constant 1 : i32
          %get3A_310 = arith.index_cast %get3A_309 : i32 to index
          %get3A_311 = arith.index_cast %add3A_231 : i32 to index
          %get3A_312 = arith.constant 96 : index
          %get3A_313 = tpu.vector_load %arg6[%get3A_310, %get3A_311, %get3A_312] {strides = array<i32>} : memref<2x64x256xf32, #tpu.memory_space<vmem>>, vector<16xf32>,
          %get3A_314 = arith.constant 1 : i32
          %get3A_315 = arith.index_cast %get3A_314 : i32 to index
          %get3A_316 = arith.index_cast %add3A_231 : i32 to index
          %get3A_317 = arith.constant 96 : index
          %get3A_318 = tpu.vector_load %arg7[%get3A_315, %get3A_316, %get3A_317] {strides = array<i32>} : memref<2x64x256xf32, #tpu.memory_space<vmem>>, vector<16xf32>,
          %sub3A_319 = arith.subf %get3A_313, %get3A_318 : vector<16xf32>
          %mul3A_320 = arith.mulf %sub3A_319, %sub3A_319 : vector<16xf32>
          %add3A_321 = arith.addf %add3A_308, %mul3A_320 : vector<16xf32>
          %get3A_322 = arith.constant 1 : i32
          %get3A_323 = arith.index_cast %get3A_322 : i32 to index
          %get3A_324 = arith.index_cast %add3A_231 : i32 to index
          %get3A_325 = arith.constant 112 : index
          %get3A_326 = tpu.vector_load %arg6[%get3A_323, %get3A_324, %get3A_325] {strides = array<i32>} : memref<2x64x256xf32, #tpu.memory_space<vmem>>, vector<16xf32>,
          %get3A_327 = arith.constant 1 : i32
          %get3A_328 = arith.index_cast %get3A_327 : i32 to index
          %get3A_329 = arith.index_cast %add3A_231 : i32 to index
          %get3A_330 = arith.constant 112 : index
          %get3A_331 = tpu.vector_load %arg7[%get3A_328, %get3A_329, %get3A_330] {strides = array<i32>} : memref<2x64x256xf32, #tpu.memory_space<vmem>>, vector<16xf32>,
          %sub3A_332 = arith.subf %get3A_326, %get3A_331 : vector<16xf32>
          %mul3A_333 = arith.mulf %sub3A_332, %sub3A_332 : vector<16xf32>
          %add3A_334 = arith.addf %add3A_321, %mul3A_333 : vector<16xf32>
          %get3A_335 = arith.constant 1 : i32
          %get3A_336 = arith.index_cast %get3A_335 : i32 to index
          %get3A_337 = arith.index_cast %add3A_231 : i32 to index
          %get3A_338 = arith.constant 128 : index
          %get3A_339 = tpu.vector_load %arg6[%get3A_336, %get3A_337, %get3A_338] {strides = array<i32>} : memref<2x64x256xf32, #tpu.memory_space<vmem>>, vector<16xf32>,
          %get3A_340 = arith.constant 1 : i32
          %get3A_341 = arith.index_cast %get3A_340 : i32 to index
          %get3A_342 = arith.index_cast %add3A_231 : i32 to index
          %get3A_343 = arith.constant 128 : index
          %get3A_344 = tpu.vector_load %arg7[%get3A_341, %get3A_342, %get3A_343] {strides = array<i32>} : memref<2x64x256xf32, #tpu.memory_space<vmem>>, vector<16xf32>,
          %sub3A_345 = arith.subf %get3A_339, %get3A_344 : vector<16xf32>
          %mul3A_346 = arith.mulf %sub3A_345, %sub3A_345 : vector<16xf32>
          %add3A_347 = arith.addf %add3A_334, %mul3A_346 : vector<16xf32>
          %get3A_348 = arith.constant 1 : i32
          %get3A_349 = arith.index_cast %get3A_348 : i32 to index
          %get3A_350 = arith.index_cast %add3A_231 : i32 to index
          %get3A_351 = arith.constant 144 : index
          %get3A_352 = tpu.vector_load %arg6[%get3A_349, %get3A_350, %get3A_351] {strides = array<i32>} : memref<2x64x256xf32, #tpu.memory_space<vmem>>, vector<16xf32>,
          %get3A_353 = arith.constant 1 : i32
          %get3A_354 = arith.index_cast %get3A_353 : i32 to index
          %get3A_355 = arith.index_cast %add3A_231 : i32 to index
          %get3A_356 = arith.constant 144 : index
          %get3A_357 = tpu.vector_load %arg7[%get3A_354, %get3A_355, %get3A_356] {strides = array<i32>} : memref<2x64x256xf32, #tpu.memory_space<vmem>>, vector<16xf32>,
          %sub3A_358 = arith.subf %get3A_352, %get3A_357 : vector<16xf32>
          %mul3A_359 = arith.mulf %sub3A_358, %sub3A_358 : vector<16xf32>
          %add3A_360 = arith.addf %add3A_347, %mul3A_359 : vector<16xf32>
          %get3A_361 = arith.constant 1 : i32
          %get3A_362 = arith.index_cast %get3A_361 : i32 to index
          %get3A_363 = arith.index_cast %add3A_231 : i32 to index
          %get3A_364 = arith.constant 160 : index
          %get3A_365 = tpu.vector_load %arg6[%get3A_362, %get3A_363, %get3A_364] {strides = array<i32>} : memref<2x64x256xf32, #tpu.memory_space<vmem>>, vector<16xf32>,
          %get3A_366 = arith.constant 1 : i32
          %get3A_367 = arith.index_cast %get3A_366 : i32 to index
          %get3A_368 = arith.index_cast %add3A_231 : i32 to index
          %get3A_369 = arith.constant 160 : index
          %get3A_370 = tpu.vector_load %arg7[%get3A_367, %get3A_368, %get3A_369] {strides = array<i32>} : memref<2x64x256xf32, #tpu.memory_space<vmem>>, vector<16xf32>,
          %sub3A_371 = arith.subf %get3A_365, %get3A_370 : vector<16xf32>
          %mul3A_372 = arith.mulf %sub3A_371, %sub3A_371 : vector<16xf32>
          %add3A_373 = arith.addf %add3A_360, %mul3A_372 : vector<16xf32>
          %get3A_374 = arith.constant 1 : i32
          %get3A_375 = arith.index_cast %get3A_374 : i32 to index
          %get3A_376 = arith.index_cast %add3A_231 : i32 to index
          %get3A_377 = arith.constant 176 : index
          %get3A_378 = tpu.vector_load %arg6[%get3A_375, %get3A_376, %get3A_377] {strides = array<i32>} : memref<2x64x256xf32, #tpu.memory_space<vmem>>, vector<16xf32>,
          %get3A_379 = arith.constant 1 : i32
          %get3A_380 = arith.index_cast %get3A_379 : i32 to index
          %get3A_381 = arith.index_cast %add3A_231 : i32 to index
          %get3A_382 = arith.constant 176 : index
          %get3A_383 = tpu.vector_load %arg7[%get3A_380, %get3A_381, %get3A_382] {strides = array<i32>} : memref<2x64x256xf32, #tpu.memory_space<vmem>>, vector<16xf32>,
          %sub3A_384 = arith.subf %get3A_378, %get3A_383 : vector<16xf32>
          %mul3A_385 = arith.mulf %sub3A_384, %sub3A_384 : vector<16xf32>
          %add3A_386 = arith.addf %add3A_373, %mul3A_385 : vector<16xf32>
          %get3A_387 = arith.constant 1 : i32
          %get3A_388 = arith.index_cast %get3A_387 : i32 to index
          %get3A_389 = arith.index_cast %add3A_231 : i32 to index
          %get3A_390 = arith.constant 192 : index
          %get3A_391 = tpu.vector_load %arg6[%get3A_388, %get3A_389, %get3A_390] {strides = array<i32>} : memref<2x64x256xf32, #tpu.memory_space<vmem>>, vector<16xf32>,
          %get3A_392 = arith.constant 1 : i32
          %get3A_393 = arith.index_cast %get3A_392 : i32 to index
          %get3A_394 = arith.index_cast %add3A_231 : i32 to index
          %get3A_395 = arith.constant 192 : index
          %get3A_396 = tpu.vector_load %arg7[%get3A_393, %get3A_394, %get3A_395] {strides = array<i32>} : memref<2x64x256xf32, #tpu.memory_space<vmem>>, vector<16xf32>,
          %sub3A_397 = arith.subf %get3A_391, %get3A_396 : vector<16xf32>
          %mul3A_398 = arith.mulf %sub3A_397, %sub3A_397 : vector<16xf32>
          %add3A_399 = arith.addf %add3A_386, %mul3A_398 : vector<16xf32>
          %get3A_400 = arith.constant 1 : i32
          %get3A_401 = arith.index_cast %get3A_400 : i32 to index
          %get3A_402 = arith.index_cast %add3A_231 : i32 to index
          %get3A_403 = arith.constant 208 : index
          %get3A_404 = tpu.vector_load %arg6[%get3A_401, %get3A_402, %get3A_403] {strides = array<i32>} : memref<2x64x256xf32, #tpu.memory_space<vmem>>, vector<16xf32>,
          %get3A_405 = arith.constant 1 : i32
          %get3A_406 = arith.index_cast %get3A_405 : i32 to index
          %get3A_407 = arith.index_cast %add3A_231 : i32 to index
          %get3A_408 = arith.constant 208 : index
          %get3A_409 = tpu.vector_load %arg7[%get3A_406, %get3A_407, %get3A_408] {strides = array<i32>} : memref<2x64x256xf32, #tpu.memory_space<vmem>>, vector<16xf32>,
          %sub3A_410 = arith.subf %get3A_404, %get3A_409 : vector<16xf32>
          %mul3A_411 = arith.mulf %sub3A_410, %sub3A_410 : vector<16xf32>
          %add3A_412 = arith.addf %add3A_399, %mul3A_411 : vector<16xf32>
          %get3A_413 = arith.constant 1 : i32
          %get3A_414 = arith.index_cast %get3A_413 : i32 to index
          %get3A_415 = arith.index_cast %add3A_231 : i32 to index
          %get3A_416 = arith.constant 224 : index
          %get3A_417 = tpu.vector_load %arg6[%get3A_414, %get3A_415, %get3A_416] {strides = array<i32>} : memref<2x64x256xf32, #tpu.memory_space<vmem>>, vector<16xf32>,
          %get3A_418 = arith.constant 1 : i32
          %get3A_419 = arith.index_cast %get3A_418 : i32 to index
          %get3A_420 = arith.index_cast %add3A_231 : i32 to index
          %get3A_421 = arith.constant 224 : index
          %get3A_422 = tpu.vector_load %arg7[%get3A_419, %get3A_420, %get3A_421] {strides = array<i32>} : memref<2x64x256xf32, #tpu.memory_space<vmem>>, vector<16xf32>,
          %sub3A_423 = arith.subf %get3A_417, %get3A_422 : vector<16xf32>
          %mul3A_424 = arith.mulf %sub3A_423, %sub3A_423 : vector<16xf32>
          %add3A_425 = arith.addf %add3A_412, %mul3A_424 : vector<16xf32>
          %get3A_426 = arith.constant 1 : i32
          %get3A_427 = arith.index_cast %get3A_426 : i32 to index
          %get3A_428 = arith.index_cast %add3A_231 : i32 to index
          %get3A_429 = arith.constant 240 : index
          %get3A_430 = tpu.vector_load %arg6[%get3A_427, %get3A_428, %get3A_429] {strides = array<i32>} : memref<2x64x256xf32, #tpu.memory_space<vmem>>, vector<16xf32>,
          %get3A_431 = arith.constant 1 : i32
          %get3A_432 = arith.index_cast %get3A_431 : i32 to index
          %get3A_433 = arith.index_cast %add3A_231 : i32 to index
          %get3A_434 = arith.constant 240 : index
          %get3A_435 = tpu.vector_load %arg7[%get3A_432, %get3A_433, %get3A_434] {strides = array<i32>} : memref<2x64x256xf32, #tpu.memory_space<vmem>>, vector<16xf32>,
          %sub3A_436 = arith.subf %get3A_430, %get3A_435 : vector<16xf32>
          %mul3A_437 = arith.mulf %sub3A_436, %sub3A_436 : vector<16xf32>
          %add3A_438 = arith.addf %add3A_425, %mul3A_437 : vector<16xf32>
          %broadcast_in_dim3A_439 = vector.broadcast %scan3A_227 : i32 to vector<16xi32>
          %eq3A = arith.cmpi eq, %iota3A, %broadcast_in_dim3A_439 : vector<16xi32>
          %jit3A = arith.constant 0 : i32
          %broadcast_in_dim3A_440 = vector.broadcast %jit3A : i32 to vector<16xi32>
          %select_n3A = arith.select %eq3A, %get3A_218, %broadcast_in_dim3A_440 : vector<16xi1>, vector<16xi32>
          %reduce_sum3A = arith.constant true
          %reduce_sum3A_441 = vector.broadcast %reduce_sum3A : i1 to vector<16xi1>
          %reduce_sum3A_442 = tpu.scan <sum>, %select_n3A masked %reduce_sum3A_441 : vector<16xi32>, vector<16xi1> -> vector<16xi32>
          %reduce_sum3A_443 = vector.extract %reduce_sum3A_442[15] : i32 from vector<16xi32>
          %broadcast_in_dim3A_444 = vector.broadcast %reduce_sum3A_443 : i32 to vector<16xi32>
          %mul3A_445 = arith.constant 16 : i32
          %mul3A_446 = vector.broadcast %mul3A_445 : i32 to vector<16xi32>
          %mul3A_447 = arith.muli %broadcast_in_dim3A_444, %mul3A_446 : vector<16xi32>
          %add3A_448 = arith.addi %mul3A_447, %iota3A : vector<16xi32>
          tpu.vector_store_idx %arg9[%add3A_448], %add3A_438 {add = true} : memref<256xf32, #tpu.memory_space<vmem>>[vector<16xi32>], vector<16xf32>,
          %scan3A_449 = arith.constant 0 : i32
          scf.yield %scan3A_449 : i32
        }
        %scan3A_225 = arith.constant 16 : i32
        %scan3A_226 = arith.constant 0 : i32
        scf.yield %scan3A_226 : i32
      }
      %scan3A_202 = arith.constant 4 : i32
      %add3A_203 = arith.constant 3 : i32
      %add3A_204 = arith.addi %mul3A_111, %add3A_203 : i32
      %lt3A_205 = arith.constant 4 : i32
      %lt3A_206 = arith.cmpi slt, %add3A_204, %lt3A_205 : i32
      %convert_element_type3A_207 = arith.extui %lt3A_206 : i1 to i32
      %cond3A_208 = arith.constant 0 : i32
      %cond3A_209 = arith.cmpi ne, %convert_element_type3A_207, %cond3A_208 : i32
      scf.if %cond3A_209 {
        %add3A_211 = arith.constant 3 : i32
        %add3A_212 = arith.addi %mul3A_111, %add3A_211 : i32
        %mul3A_213 = arith.constant 64 : i32
        %mul3A_214 = arith.muli %add3A_212, %mul3A_213 : i32
        %add3A_215 = arith.addi %mul3A_2, %mul3A_214 : i32
        %dma_start3A_216 = arith.constant 1 : i32
        %dma_start3A_217 = arith.constant 1 : i32
        %dma_start3A_218 = arith.constant 0 : i32
        %dma_start3A_219 = arith.constant 0 : i32
        %dma_start3A_220 = tpu.memref_slice %arg6[%dma_start3A_216, %dma_start3A_218, %dma_start3A_219] : memref<2x64x256xf32, #tpu.memory_space<vmem>> -> memref<1x64x256xf32, #tpu.memory_space<vmem>>
        %dma_start3A_221 = tpu.memref_squeeze %dma_start3A_220 : memref<1x64x256xf32, #tpu.memory_space<vmem>> -> memref<64x256xf32, #tpu.memory_space<vmem>>
        %dma_start3A_222 = arith.constant 0 : i32
        %dma_start3A_223 = tpu.memref_slice %arg2[%add3A_215, %dma_start3A_222] : memref<32768x256xf32, #tpu.memory_space<hbm>> -> memref<64x256xf32, #tpu.memory_space<hbm>>
        %dma_start3A_224 = tpu.memref_slice %arg10[%dma_start3A_217] : memref<2x!tpu.dma_semaphore, #tpu.memory_space<semaphore_mem>> -> memref<1x!tpu.dma_semaphore, #tpu.memory_space<semaphore_mem>>
        %dma_start3A_225 = tpu.memref_squeeze %dma_start3A_224 : memref<1x!tpu.dma_semaphore, #tpu.memory_space<semaphore_mem>> -> memref<!tpu.dma_semaphore, #tpu.memory_space<semaphore_mem>>
        %dma_start3A_226 = arith.constant 0 : i32
        %dma_start3A_227 = arith.constant 0 : i32
        %dma_start3A_228 = tpu.memref_slice %arg6[%dma_start3A_216, %dma_start3A_226, %dma_start3A_227] : memref<2x64x256xf32, #tpu.memory_space<vmem>> -> memref<1x64x256xf32, #tpu.memory_space<vmem>>
        %dma_start3A_229 = tpu.memref_squeeze %dma_start3A_228 : memref<1x64x256xf32, #tpu.memory_space<vmem>> -> memref<64x256xf32, #tpu.memory_space<vmem>>
        %dma_start3A_230 = arith.constant 0 : i32
        %dma_start3A_231 = tpu.memref_slice %arg2[%add3A_215, %dma_start3A_230] : memref<32768x256xf32, #tpu.memory_space<hbm>> -> memref<64x256xf32, #tpu.memory_space<hbm>>
        tpu.enqueue_dma source(%dma_start3A_231 : memref<64x256xf32, #tpu.memory_space<hbm>>) target(%dma_start3A_229 : memref<64x256xf32, #tpu.memory_space<vmem>>) target_semaphore(%dma_start3A_225 : memref<!tpu.dma_semaphore, #tpu.memory_space<semaphore_mem>>)
        %dma_start3A_232 = arith.constant 1 : i32
        %dma_start3A_233 = arith.constant 1 : i32
        %dma_start3A_234 = arith.constant 0 : i32
        %dma_start3A_235 = arith.constant 0 : i32
        %dma_start3A_236 = tpu.memref_slice %arg7[%dma_start3A_232, %dma_start3A_234, %dma_start3A_235] : memref<2x64x256xf32, #tpu.memory_space<vmem>> -> memref<1x64x256xf32, #tpu.memory_space<vmem>>
        %dma_start3A_237 = tpu.memref_squeeze %dma_start3A_236 : memref<1x64x256xf32, #tpu.memory_space<vmem>> -> memref<64x256xf32, #tpu.memory_space<vmem>>
        %dma_start3A_238 = arith.constant 0 : i32
        %dma_start3A_239 = tpu.memref_slice %arg3[%add3A_215, %dma_start3A_238] : memref<32768x256xf32, #tpu.memory_space<hbm>> -> memref<64x256xf32, #tpu.memory_space<hbm>>
        %dma_start3A_240 = tpu.memref_slice %arg11[%dma_start3A_233] : memref<2x!tpu.dma_semaphore, #tpu.memory_space<semaphore_mem>> -> memref<1x!tpu.dma_semaphore, #tpu.memory_space<semaphore_mem>>
        %dma_start3A_241 = tpu.memref_squeeze %dma_start3A_240 : memref<1x!tpu.dma_semaphore, #tpu.memory_space<semaphore_mem>> -> memref<!tpu.dma_semaphore, #tpu.memory_space<semaphore_mem>>
        %dma_start3A_242 = arith.constant 0 : i32
        %dma_start3A_243 = arith.constant 0 : i32
        %dma_start3A_244 = tpu.memref_slice %arg7[%dma_start3A_232, %dma_start3A_242, %dma_start3A_243] : memref<2x64x256xf32, #tpu.memory_space<vmem>> -> memref<1x64x256xf32, #tpu.memory_space<vmem>>
        %dma_start3A_245 = tpu.memref_squeeze %dma_start3A_244 : memref<1x64x256xf32, #tpu.memory_space<vmem>> -> memref<64x256xf32, #tpu.memory_space<vmem>>
        %dma_start3A_246 = arith.constant 0 : i32
        %dma_start3A_247 = tpu.memref_slice %arg3[%add3A_215, %dma_start3A_246] : memref<32768x256xf32, #tpu.memory_space<hbm>> -> memref<64x256xf32, #tpu.memory_space<hbm>>
        tpu.enqueue_dma source(%dma_start3A_247 : memref<64x256xf32, #tpu.memory_space<hbm>>) target(%dma_start3A_245 : memref<64x256xf32, #tpu.memory_space<vmem>>) target_semaphore(%dma_start3A_241 : memref<!tpu.dma_semaphore, #tpu.memory_space<semaphore_mem>>)
      } else {
      }
      %scan3A_210 = arith.constant 0 : i32
      scf.yield %scan3A_210 : i32
    }
    %scan3A_107 = arith.constant 2 : i32
    "tpu.region"() ({
      %run_scoped3A = tpu.sem_alloc : memref<!tpu.dma_semaphore, #tpu.memory_space<semaphore_mem>>
      %dma_start3A_108 = arith.constant 0 : i32
      %dma_start3A_109 = tpu.memref_slice %arg5[%add3A, %dma_start3A_108] : memref<32x256xf32, #tpu.memory_space<hbm>> -> memref<1x256xf32, #tpu.memory_space<hbm>>
      %dma_start3A_110 = tpu.memref_squeeze %dma_start3A_109 : memref<1x256xf32, #tpu.memory_space<hbm>> -> memref<256xf32, #tpu.memory_space<hbm>>
      %dma_start3A_111 = arith.constant 0 : i32
      %dma_start3A_112 = tpu.memref_slice %arg5[%add3A, %dma_start3A_111] : memref<32x256xf32, #tpu.memory_space<hbm>> -> memref<1x256xf32, #tpu.memory_space<hbm>>
      %dma_start3A_113 = tpu.memref_squeeze %dma_start3A_112 : memref<1x256xf32, #tpu.memory_space<hbm>> -> memref<256xf32, #tpu.memory_space<hbm>>
      tpu.enqueue_dma source(%arg9 : memref<256xf32, #tpu.memory_space<vmem>>) target(%dma_start3A_113 : memref<256xf32, #tpu.memory_space<hbm>>) target_semaphore(%run_scoped3A : memref<!tpu.dma_semaphore, #tpu.memory_space<semaphore_mem>>)
      %dma_wait3A = arith.constant 0 : i32
      %dma_wait3A_114 = tpu.memref_slice %arg5[%add3A, %dma_wait3A] : memref<32x256xf32, #tpu.memory_space<hbm>> -> memref<1x256xf32, #tpu.memory_space<hbm>>
      %dma_wait3A_115 = tpu.memref_squeeze %dma_wait3A_114 : memref<1x256xf32, #tpu.memory_space<hbm>> -> memref<256xf32, #tpu.memory_space<hbm>>
      %dma_wait3A_116 = arith.constant 0 : i32
      %dma_wait3A_117 = tpu.memref_slice %arg5[%add3A, %dma_wait3A_116] : memref<32x256xf32, #tpu.memory_space<hbm>> -> memref<1x256xf32, #tpu.memory_space<hbm>>
      %dma_wait3A_118 = tpu.memref_squeeze %dma_wait3A_117 : memref<1x256xf32, #tpu.memory_space<hbm>> -> memref<256xf32, #tpu.memory_space<hbm>>
      tpu.wait_dma2 semaphore(%run_scoped3A : memref<!tpu.dma_semaphore, #tpu.memory_space<semaphore_mem>>) src(%arg9 : memref<256xf32, #tpu.memory_space<vmem>>) dst(%dma_wait3A_118 : memref<256xf32, #tpu.memory_space<hbm>>)
      tpu.yield
    }) : () -> ()
    return
  }
}

module attributes {stable_mosaic.version = 14 : i64} {
  func.func @_tc_body(%arg0: i32, %arg1: memref<1024x256xf32, #tpu.memory_space<vmem>>, %arg2: memref<1024x256xf32, #tpu.memory_space<vmem>>, %arg3: memref<1x1x1024xi32, #tpu.memory_space<vmem>>, %arg4: memref<16x256xf32, #tpu.memory_space<vmem>>) attributes {dimension_semantics = [#tpu.dimension_semantics<arbitrary>], iteration_bounds = array<i64: 24>, scalar_prefetch = 0 : i64, scratch_operands = 0 : i64, tpu.core_type = #tpu.core_type<tc>, window_params = [{transform_indices = @transform_0, window_bounds = array<i64: 1024, 256>}, {transform_indices = @transform_1, window_bounds = array<i64: 1024, 256>}, {transform_indices = @transform_2, window_bounds = array<i64: 1, 1, 1024>}, {pipeline_mode = #tpu.pipeline_mode<synchronous>, transform_indices = @transform_3, window_bounds = array<i64: 16, 256>}]} {
    %get3A = arith.constant 0 : index
    %get3A_0 = arith.constant 0 : index
    %get3A_1 = vector.load %arg1[%get3A, %get3A_0] : memref<1024x256xf32, #tpu.memory_space<vmem>>, vector<1024x256xf32>
    %get3A_2 = arith.constant 0 : index
    %get3A_3 = arith.constant 0 : index
    %get3A_4 = vector.load %arg2[%get3A_2, %get3A_3] : memref<1024x256xf32, #tpu.memory_space<vmem>>, vector<1024x256xf32>
    %sub3A = arith.subf %get3A_1, %get3A_4 : vector<1024x256xf32>
    %mul3A = arith.mulf %sub3A, %sub3A : vector<1024x256xf32>
    %get3A_5 = arith.constant 0 : index
    %get3A_6 = arith.constant 0 : index
    %get3A_7 = arith.constant 0 : index
    %get3A_8 = vector.load %arg3[%get3A_5, %get3A_6, %get3A_7] : memref<1x1x1024xi32, #tpu.memory_space<vmem>>, vector<1x1x1024xi32>
    %get3A_9 = vector.shape_cast %get3A_8 : vector<1x1x1024xi32> to vector<1x1024xi32>
    %iota3A = tpu.iota {dimensions = array<i32: 0>} : vector<16x1024xi32>
    %eq3A = vector.broadcast %get3A_9 : vector<1x1024xi32> to vector<16x1024xi32>
    %eq3A_10 = arith.cmpi eq, %iota3A, %eq3A : vector<16x1024xi32>
    %convert_element_type3A = arith.extui %eq3A_10 : vector<16x1024xi1> to vector<16x1024xi32>
    %convert_element_type3A_11 = arith.sitofp %convert_element_type3A : vector<16x1024xi32> to vector<16x1024xf32>
    %dot_general3A = arith.constant dense<0.000000e+00> : vector<16x256xf32>
    %dot_general3A_12 = tpu.matmul %convert_element_type3A_11, %mul3A, %dot_general3A {dimension_numbers = #tpu.dot_dimension_numbers<[1], [0], [0], [1], [0, 0, 1, 1], [], []>, transpose_lhs_hint = false} : vector<16x1024xf32>, vector<1024x256xf32>, vector<16x256xf32> -> vector<16x256xf32>
    %eq3A_13 = arith.constant 0 : i32
    %eq3A_14 = arith.cmpi eq, %arg0, %eq3A_13 : i32
    %convert_element_type3A_15 = arith.extui %eq3A_14 : i1 to i32
    %cond3A = arith.constant 0 : i32
    %cond3A_16 = arith.cmpi ne, %convert_element_type3A_15, %cond3A : i32
    scf.if %cond3A_16 {
      %swap3A = arith.constant 0 : index
      %swap3A_21 = arith.constant 0 : index
      %swap3A_22 = vector.load %arg4[%swap3A, %swap3A_21] : memref<16x256xf32, #tpu.memory_space<vmem>>, vector<16x256xf32>
      tpu.vector_store %arg4[%swap3A, %swap3A_21], %dot_general3A_12 {strides = array<i32>} : memref<16x256xf32, #tpu.memory_space<vmem>>, vector<16x256xf32>,
    } else {
    }
    %gt3A = arith.constant 0 : i32
    %gt3A_17 = arith.cmpi sgt, %arg0, %gt3A : i32
    %convert_element_type3A_18 = arith.extui %gt3A_17 : i1 to i32
    %cond3A_19 = arith.constant 0 : i32
    %cond3A_20 = arith.cmpi ne, %convert_element_type3A_18, %cond3A_19 : i32
    scf.if %cond3A_20 {
      %get3A_21 = arith.constant 0 : index
      %get3A_22 = arith.constant 0 : index
      %get3A_23 = vector.load %arg4[%get3A_21, %get3A_22] : memref<16x256xf32, #tpu.memory_space<vmem>>, vector<16x256xf32>
      %add3A = arith.addf %get3A_23, %dot_general3A_12 : vector<16x256xf32>
      %swap3A = arith.constant 0 : index
      %swap3A_24 = arith.constant 0 : index
      %swap3A_25 = vector.load %arg4[%swap3A, %swap3A_24] : memref<16x256xf32, #tpu.memory_space<vmem>>, vector<16x256xf32>
      tpu.vector_store %arg4[%swap3A, %swap3A_24], %add3A {strides = array<i32>} : memref<16x256xf32, #tpu.memory_space<vmem>>, vector<16x256xf32>,
    } else {
    }
    return
  }
  func.func @transform_0(%arg0: i32) -> (i32, i32) {
    %add3A = arith.constant 8 : i32
    %add3A_0 = arith.addi %arg0, %add3A : i32
    %c0_i32 = arith.constant 0 : i32
    %c0_i32_1 = arith.constant 0 : i32
    return %add3A_0, %c0_i32 : i32, i32
  }
  func.func @transform_1(%arg0: i32) -> (i32, i32) {
    %add3A = arith.constant 8 : i32
    %add3A_0 = arith.addi %arg0, %add3A : i32
    %c0_i32 = arith.constant 0 : i32
    %c0_i32_1 = arith.constant 0 : i32
    return %add3A_0, %c0_i32 : i32, i32
  }
  func.func @transform_2(%arg0: i32) -> (i32, i32, i32) {
    %add3A = arith.constant 8 : i32
    %add3A_0 = arith.addi %arg0, %add3A : i32
    %c0_i32 = arith.constant 0 : i32
    %c0_i32_1 = arith.constant 0 : i32
    %c0_i32_2 = arith.constant 0 : i32
    return %add3A_0, %c0_i32, %c0_i32_1 : i32, i32, i32
  }
  func.func @transform_3(%arg0: i32) -> (i32, i32) {
    %c0_i32 = arith.constant 0 : i32
    %c0_i32_0 = arith.constant 0 : i32
    %c0_i32_1 = arith.constant 0 : i32
    return %c0_i32, %c0_i32_0 : i32, i32
  }
}

module attributes {stable_mosaic.version = 14 : i64} {
  func.func @_finish_body(%arg0: memref<32x256xf32, #tpu.memory_space<vmem>>, %arg1: memref<16x256xf32, #tpu.memory_space<vmem>>, %arg2: memref<256x128xi32, #tpu.memory_space<vmem>>, %arg3: memref<1x1xf32, #tpu.memory_space<vmem>>) attributes {dimension_semantics = [], scalar_prefetch = 0 : i64, scratch_operands = 0 : i64, tpu.core_type = #tpu.core_type<tc>} {
    %get3A = arith.constant 0 : index
    %get3A_0 = arith.constant 0 : index
    %get3A_1 = vector.load %arg2[%get3A, %get3A_0] : memref<256x128xi32, #tpu.memory_space<vmem>>, vector<256x128xi32>
    %get3A_2 = arith.constant 0 : index
    %get3A_3 = arith.constant 0 : index
    %get3A_4 = vector.load %arg0[%get3A_2, %get3A_3] : memref<32x256xf32, #tpu.memory_space<vmem>>, vector<32x16xf32>
    %reduce_sum3A = vector.shape_cast %get3A_4 : vector<32x16xf32> to vector<1x32x16xf32>
    %reduce_sum3A_5 = arith.constant dense<0.000000e+00> : vector<1xf32>
    %reduce_sum3A_6 = vector.multi_reduction <add>, %reduce_sum3A, %reduce_sum3A_5 [1, 2] : vector<1x32x16xf32> to vector<1xf32>
    %reduce_sum3A_7 = vector.shape_cast %reduce_sum3A_6 : vector<1xf32> to vector<1x1x1xf32>
    %reduce_sum3A_8 = vector.extract %reduce_sum3A_7[0, 0, 0] : f32 from vector<1x1x1xf32>
    %get3A_9 = arith.constant 0 : index
    %get3A_10 = arith.constant 0 : index
    %get3A_11 = vector.load %arg1[%get3A_9, %get3A_10] : memref<16x256xf32, #tpu.memory_space<vmem>>, vector<1x256xf32>
    %reduce_sum3A_12 = vector.shape_cast %get3A_11 : vector<1x256xf32> to vector<1x1x256xf32>
    %reduce_sum3A_13 = arith.constant dense<0.000000e+00> : vector<1xf32>
    %reduce_sum3A_14 = vector.multi_reduction <add>, %reduce_sum3A_12, %reduce_sum3A_13 [1, 2] : vector<1x1x256xf32> to vector<1xf32>
    %reduce_sum3A_15 = vector.shape_cast %reduce_sum3A_14 : vector<1xf32> to vector<1x1x1xf32>
    %reduce_sum3A_16 = vector.extract %reduce_sum3A_15[0, 0, 0] : f32 from vector<1x1x1xf32>
    %add3A = arith.addf %reduce_sum3A_8, %reduce_sum3A_16 : f32
    %eq3A = arith.constant 0 : i32
    %eq3A_17 = vector.broadcast %eq3A : i32 to vector<256x128xi32>
    %eq3A_18 = arith.cmpi eq, %get3A_1, %eq3A_17 : vector<256x128xi32>
    %convert_element_type3A = arith.extui %eq3A_18 : vector<256x128xi1> to vector<256x128xi32>
    %convert_element_type3A_19 = arith.sitofp %convert_element_type3A : vector<256x128xi32> to vector<256x128xf32>
    %reduce_sum3A_20 = vector.shape_cast %convert_element_type3A_19 : vector<256x128xf32> to vector<1x256x128xf32>
    %reduce_sum3A_21 = arith.constant dense<0.000000e+00> : vector<1xf32>
    %reduce_sum3A_22 = vector.multi_reduction <add>, %reduce_sum3A_20, %reduce_sum3A_21 [1, 2] : vector<1x256x128xf32> to vector<1xf32>
    %reduce_sum3A_23 = vector.shape_cast %reduce_sum3A_22 : vector<1xf32> to vector<1x1x1xf32>
    %reduce_sum3A_24 = vector.extract %reduce_sum3A_23[0, 0, 0] : f32 from vector<1x1x1xf32>
    %max3A = arith.constant 1.000000e+00 : f32
    %max3A_25 = arith.maximumf %reduce_sum3A_24, %max3A : f32
    %div3A = arith.divf %add3A, %max3A_25 : f32
    %add3A_26 = arith.constant 0.000000e+00 : f32
    %add3A_27 = arith.addf %add3A_26, %div3A : f32
    %get3A_28 = arith.constant 0 : index
    %get3A_29 = arith.constant 16 : index
    %get3A_30 = vector.load %arg0[%get3A_28, %get3A_29] : memref<32x256xf32, #tpu.memory_space<vmem>>, vector<32x16xf32>
    %reduce_sum3A_31 = vector.shape_cast %get3A_30 : vector<32x16xf32> to vector<1x32x16xf32>
    %reduce_sum3A_32 = arith.constant dense<0.000000e+00> : vector<1xf32>
    %reduce_sum3A_33 = vector.multi_reduction <add>, %reduce_sum3A_31, %reduce_sum3A_32 [1, 2] : vector<1x32x16xf32> to vector<1xf32>
    %reduce_sum3A_34 = vector.shape_cast %reduce_sum3A_33 : vector<1xf32> to vector<1x1x1xf32>
    %reduce_sum3A_35 = vector.extract %reduce_sum3A_34[0, 0, 0] : f32 from vector<1x1x1xf32>
    %get3A_36 = arith.constant 1 : index
    %get3A_37 = arith.constant 0 : index
    %get3A_38 = vector.load %arg1[%get3A_36, %get3A_37] : memref<16x256xf32, #tpu.memory_space<vmem>>, vector<1x256xf32>
    %reduce_sum3A_39 = vector.shape_cast %get3A_38 : vector<1x256xf32> to vector<1x1x256xf32>
    %reduce_sum3A_40 = arith.constant dense<0.000000e+00> : vector<1xf32>
    %reduce_sum3A_41 = vector.multi_reduction <add>, %reduce_sum3A_39, %reduce_sum3A_40 [1, 2] : vector<1x1x256xf32> to vector<1xf32>
    %reduce_sum3A_42 = vector.shape_cast %reduce_sum3A_41 : vector<1xf32> to vector<1x1x1xf32>
    %reduce_sum3A_43 = vector.extract %reduce_sum3A_42[0, 0, 0] : f32 from vector<1x1x1xf32>
    %add3A_44 = arith.addf %reduce_sum3A_35, %reduce_sum3A_43 : f32
    %eq3A_45 = arith.constant 1 : i32
    %eq3A_46 = vector.broadcast %eq3A_45 : i32 to vector<256x128xi32>
    %eq3A_47 = arith.cmpi eq, %get3A_1, %eq3A_46 : vector<256x128xi32>
    %convert_element_type3A_48 = arith.extui %eq3A_47 : vector<256x128xi1> to vector<256x128xi32>
    %convert_element_type3A_49 = arith.sitofp %convert_element_type3A_48 : vector<256x128xi32> to vector<256x128xf32>
    %reduce_sum3A_50 = vector.shape_cast %convert_element_type3A_49 : vector<256x128xf32> to vector<1x256x128xf32>
    %reduce_sum3A_51 = arith.constant dense<0.000000e+00> : vector<1xf32>
    %reduce_sum3A_52 = vector.multi_reduction <add>, %reduce_sum3A_50, %reduce_sum3A_51 [1, 2] : vector<1x256x128xf32> to vector<1xf32>
    %reduce_sum3A_53 = vector.shape_cast %reduce_sum3A_52 : vector<1xf32> to vector<1x1x1xf32>
    %reduce_sum3A_54 = vector.extract %reduce_sum3A_53[0, 0, 0] : f32 from vector<1x1x1xf32>
    %max3A_55 = arith.constant 1.000000e+00 : f32
    %max3A_56 = arith.maximumf %reduce_sum3A_54, %max3A_55 : f32
    %div3A_57 = arith.divf %add3A_44, %max3A_56 : f32
    %add3A_58 = arith.addf %add3A_27, %div3A_57 : f32
    %get3A_59 = arith.constant 0 : index
    %get3A_60 = arith.constant 32 : index
    %get3A_61 = vector.load %arg0[%get3A_59, %get3A_60] : memref<32x256xf32, #tpu.memory_space<vmem>>, vector<32x16xf32>
    %reduce_sum3A_62 = vector.shape_cast %get3A_61 : vector<32x16xf32> to vector<1x32x16xf32>
    %reduce_sum3A_63 = arith.constant dense<0.000000e+00> : vector<1xf32>
    %reduce_sum3A_64 = vector.multi_reduction <add>, %reduce_sum3A_62, %reduce_sum3A_63 [1, 2] : vector<1x32x16xf32> to vector<1xf32>
    %reduce_sum3A_65 = vector.shape_cast %reduce_sum3A_64 : vector<1xf32> to vector<1x1x1xf32>
    %reduce_sum3A_66 = vector.extract %reduce_sum3A_65[0, 0, 0] : f32 from vector<1x1x1xf32>
    %get3A_67 = arith.constant 2 : index
    %get3A_68 = arith.constant 0 : index
    %get3A_69 = vector.load %arg1[%get3A_67, %get3A_68] : memref<16x256xf32, #tpu.memory_space<vmem>>, vector<1x256xf32>
    %reduce_sum3A_70 = vector.shape_cast %get3A_69 : vector<1x256xf32> to vector<1x1x256xf32>
    %reduce_sum3A_71 = arith.constant dense<0.000000e+00> : vector<1xf32>
    %reduce_sum3A_72 = vector.multi_reduction <add>, %reduce_sum3A_70, %reduce_sum3A_71 [1, 2] : vector<1x1x256xf32> to vector<1xf32>
    %reduce_sum3A_73 = vector.shape_cast %reduce_sum3A_72 : vector<1xf32> to vector<1x1x1xf32>
    %reduce_sum3A_74 = vector.extract %reduce_sum3A_73[0, 0, 0] : f32 from vector<1x1x1xf32>
    %add3A_75 = arith.addf %reduce_sum3A_66, %reduce_sum3A_74 : f32
    %eq3A_76 = arith.constant 2 : i32
    %eq3A_77 = vector.broadcast %eq3A_76 : i32 to vector<256x128xi32>
    %eq3A_78 = arith.cmpi eq, %get3A_1, %eq3A_77 : vector<256x128xi32>
    %convert_element_type3A_79 = arith.extui %eq3A_78 : vector<256x128xi1> to vector<256x128xi32>
    %convert_element_type3A_80 = arith.sitofp %convert_element_type3A_79 : vector<256x128xi32> to vector<256x128xf32>
    %reduce_sum3A_81 = vector.shape_cast %convert_element_type3A_80 : vector<256x128xf32> to vector<1x256x128xf32>
    %reduce_sum3A_82 = arith.constant dense<0.000000e+00> : vector<1xf32>
    %reduce_sum3A_83 = vector.multi_reduction <add>, %reduce_sum3A_81, %reduce_sum3A_82 [1, 2] : vector<1x256x128xf32> to vector<1xf32>
    %reduce_sum3A_84 = vector.shape_cast %reduce_sum3A_83 : vector<1xf32> to vector<1x1x1xf32>
    %reduce_sum3A_85 = vector.extract %reduce_sum3A_84[0, 0, 0] : f32 from vector<1x1x1xf32>
    %max3A_86 = arith.constant 1.000000e+00 : f32
    %max3A_87 = arith.maximumf %reduce_sum3A_85, %max3A_86 : f32
    %div3A_88 = arith.divf %add3A_75, %max3A_87 : f32
    %add3A_89 = arith.addf %add3A_58, %div3A_88 : f32
    %get3A_90 = arith.constant 0 : index
    %get3A_91 = arith.constant 48 : index
    %get3A_92 = vector.load %arg0[%get3A_90, %get3A_91] : memref<32x256xf32, #tpu.memory_space<vmem>>, vector<32x16xf32>
    %reduce_sum3A_93 = vector.shape_cast %get3A_92 : vector<32x16xf32> to vector<1x32x16xf32>
    %reduce_sum3A_94 = arith.constant dense<0.000000e+00> : vector<1xf32>
    %reduce_sum3A_95 = vector.multi_reduction <add>, %reduce_sum3A_93, %reduce_sum3A_94 [1, 2] : vector<1x32x16xf32> to vector<1xf32>
    %reduce_sum3A_96 = vector.shape_cast %reduce_sum3A_95 : vector<1xf32> to vector<1x1x1xf32>
    %reduce_sum3A_97 = vector.extract %reduce_sum3A_96[0, 0, 0] : f32 from vector<1x1x1xf32>
    %get3A_98 = arith.constant 3 : index
    %get3A_99 = arith.constant 0 : index
    %get3A_100 = vector.load %arg1[%get3A_98, %get3A_99] : memref<16x256xf32, #tpu.memory_space<vmem>>, vector<1x256xf32>
    %reduce_sum3A_101 = vector.shape_cast %get3A_100 : vector<1x256xf32> to vector<1x1x256xf32>
    %reduce_sum3A_102 = arith.constant dense<0.000000e+00> : vector<1xf32>
    %reduce_sum3A_103 = vector.multi_reduction <add>, %reduce_sum3A_101, %reduce_sum3A_102 [1, 2] : vector<1x1x256xf32> to vector<1xf32>
    %reduce_sum3A_104 = vector.shape_cast %reduce_sum3A_103 : vector<1xf32> to vector<1x1x1xf32>
    %reduce_sum3A_105 = vector.extract %reduce_sum3A_104[0, 0, 0] : f32 from vector<1x1x1xf32>
    %add3A_106 = arith.addf %reduce_sum3A_97, %reduce_sum3A_105 : f32
    %eq3A_107 = arith.constant 3 : i32
    %eq3A_108 = vector.broadcast %eq3A_107 : i32 to vector<256x128xi32>
    %eq3A_109 = arith.cmpi eq, %get3A_1, %eq3A_108 : vector<256x128xi32>
    %convert_element_type3A_110 = arith.extui %eq3A_109 : vector<256x128xi1> to vector<256x128xi32>
    %convert_element_type3A_111 = arith.sitofp %convert_element_type3A_110 : vector<256x128xi32> to vector<256x128xf32>
    %reduce_sum3A_112 = vector.shape_cast %convert_element_type3A_111 : vector<256x128xf32> to vector<1x256x128xf32>
    %reduce_sum3A_113 = arith.constant dense<0.000000e+00> : vector<1xf32>
    %reduce_sum3A_114 = vector.multi_reduction <add>, %reduce_sum3A_112, %reduce_sum3A_113 [1, 2] : vector<1x256x128xf32> to vector<1xf32>
    %reduce_sum3A_115 = vector.shape_cast %reduce_sum3A_114 : vector<1xf32> to vector<1x1x1xf32>
    %reduce_sum3A_116 = vector.extract %reduce_sum3A_115[0, 0, 0] : f32 from vector<1x1x1xf32>
    %max3A_117 = arith.constant 1.000000e+00 : f32
    %max3A_118 = arith.maximumf %reduce_sum3A_116, %max3A_117 : f32
    %div3A_119 = arith.divf %add3A_106, %max3A_118 : f32
    %add3A_120 = arith.addf %add3A_89, %div3A_119 : f32
    %get3A_121 = arith.constant 0 : index
    %get3A_122 = arith.constant 64 : index
    %get3A_123 = vector.load %arg0[%get3A_121, %get3A_122] : memref<32x256xf32, #tpu.memory_space<vmem>>, vector<32x16xf32>
    %reduce_sum3A_124 = vector.shape_cast %get3A_123 : vector<32x16xf32> to vector<1x32x16xf32>
    %reduce_sum3A_125 = arith.constant dense<0.000000e+00> : vector<1xf32>
    %reduce_sum3A_126 = vector.multi_reduction <add>, %reduce_sum3A_124, %reduce_sum3A_125 [1, 2] : vector<1x32x16xf32> to vector<1xf32>
    %reduce_sum3A_127 = vector.shape_cast %reduce_sum3A_126 : vector<1xf32> to vector<1x1x1xf32>
    %reduce_sum3A_128 = vector.extract %reduce_sum3A_127[0, 0, 0] : f32 from vector<1x1x1xf32>
    %get3A_129 = arith.constant 4 : index
    %get3A_130 = arith.constant 0 : index
    %get3A_131 = vector.load %arg1[%get3A_129, %get3A_130] : memref<16x256xf32, #tpu.memory_space<vmem>>, vector<1x256xf32>
    %reduce_sum3A_132 = vector.shape_cast %get3A_131 : vector<1x256xf32> to vector<1x1x256xf32>
    %reduce_sum3A_133 = arith.constant dense<0.000000e+00> : vector<1xf32>
    %reduce_sum3A_134 = vector.multi_reduction <add>, %reduce_sum3A_132, %reduce_sum3A_133 [1, 2] : vector<1x1x256xf32> to vector<1xf32>
    %reduce_sum3A_135 = vector.shape_cast %reduce_sum3A_134 : vector<1xf32> to vector<1x1x1xf32>
    %reduce_sum3A_136 = vector.extract %reduce_sum3A_135[0, 0, 0] : f32 from vector<1x1x1xf32>
    %add3A_137 = arith.addf %reduce_sum3A_128, %reduce_sum3A_136 : f32
    %eq3A_138 = arith.constant 4 : i32
    %eq3A_139 = vector.broadcast %eq3A_138 : i32 to vector<256x128xi32>
    %eq3A_140 = arith.cmpi eq, %get3A_1, %eq3A_139 : vector<256x128xi32>
    %convert_element_type3A_141 = arith.extui %eq3A_140 : vector<256x128xi1> to vector<256x128xi32>
    %convert_element_type3A_142 = arith.sitofp %convert_element_type3A_141 : vector<256x128xi32> to vector<256x128xf32>
    %reduce_sum3A_143 = vector.shape_cast %convert_element_type3A_142 : vector<256x128xf32> to vector<1x256x128xf32>
    %reduce_sum3A_144 = arith.constant dense<0.000000e+00> : vector<1xf32>
    %reduce_sum3A_145 = vector.multi_reduction <add>, %reduce_sum3A_143, %reduce_sum3A_144 [1, 2] : vector<1x256x128xf32> to vector<1xf32>
    %reduce_sum3A_146 = vector.shape_cast %reduce_sum3A_145 : vector<1xf32> to vector<1x1x1xf32>
    %reduce_sum3A_147 = vector.extract %reduce_sum3A_146[0, 0, 0] : f32 from vector<1x1x1xf32>
    %max3A_148 = arith.constant 1.000000e+00 : f32
    %max3A_149 = arith.maximumf %reduce_sum3A_147, %max3A_148 : f32
    %div3A_150 = arith.divf %add3A_137, %max3A_149 : f32
    %add3A_151 = arith.addf %add3A_120, %div3A_150 : f32
    %get3A_152 = arith.constant 0 : index
    %get3A_153 = arith.constant 80 : index
    %get3A_154 = vector.load %arg0[%get3A_152, %get3A_153] : memref<32x256xf32, #tpu.memory_space<vmem>>, vector<32x16xf32>
    %reduce_sum3A_155 = vector.shape_cast %get3A_154 : vector<32x16xf32> to vector<1x32x16xf32>
    %reduce_sum3A_156 = arith.constant dense<0.000000e+00> : vector<1xf32>
    %reduce_sum3A_157 = vector.multi_reduction <add>, %reduce_sum3A_155, %reduce_sum3A_156 [1, 2] : vector<1x32x16xf32> to vector<1xf32>
    %reduce_sum3A_158 = vector.shape_cast %reduce_sum3A_157 : vector<1xf32> to vector<1x1x1xf32>
    %reduce_sum3A_159 = vector.extract %reduce_sum3A_158[0, 0, 0] : f32 from vector<1x1x1xf32>
    %get3A_160 = arith.constant 5 : index
    %get3A_161 = arith.constant 0 : index
    %get3A_162 = vector.load %arg1[%get3A_160, %get3A_161] : memref<16x256xf32, #tpu.memory_space<vmem>>, vector<1x256xf32>
    %reduce_sum3A_163 = vector.shape_cast %get3A_162 : vector<1x256xf32> to vector<1x1x256xf32>
    %reduce_sum3A_164 = arith.constant dense<0.000000e+00> : vector<1xf32>
    %reduce_sum3A_165 = vector.multi_reduction <add>, %reduce_sum3A_163, %reduce_sum3A_164 [1, 2] : vector<1x1x256xf32> to vector<1xf32>
    %reduce_sum3A_166 = vector.shape_cast %reduce_sum3A_165 : vector<1xf32> to vector<1x1x1xf32>
    %reduce_sum3A_167 = vector.extract %reduce_sum3A_166[0, 0, 0] : f32 from vector<1x1x1xf32>
    %add3A_168 = arith.addf %reduce_sum3A_159, %reduce_sum3A_167 : f32
    %eq3A_169 = arith.constant 5 : i32
    %eq3A_170 = vector.broadcast %eq3A_169 : i32 to vector<256x128xi32>
    %eq3A_171 = arith.cmpi eq, %get3A_1, %eq3A_170 : vector<256x128xi32>
    %convert_element_type3A_172 = arith.extui %eq3A_171 : vector<256x128xi1> to vector<256x128xi32>
    %convert_element_type3A_173 = arith.sitofp %convert_element_type3A_172 : vector<256x128xi32> to vector<256x128xf32>
    %reduce_sum3A_174 = vector.shape_cast %convert_element_type3A_173 : vector<256x128xf32> to vector<1x256x128xf32>
    %reduce_sum3A_175 = arith.constant dense<0.000000e+00> : vector<1xf32>
    %reduce_sum3A_176 = vector.multi_reduction <add>, %reduce_sum3A_174, %reduce_sum3A_175 [1, 2] : vector<1x256x128xf32> to vector<1xf32>
    %reduce_sum3A_177 = vector.shape_cast %reduce_sum3A_176 : vector<1xf32> to vector<1x1x1xf32>
    %reduce_sum3A_178 = vector.extract %reduce_sum3A_177[0, 0, 0] : f32 from vector<1x1x1xf32>
    %max3A_179 = arith.constant 1.000000e+00 : f32
    %max3A_180 = arith.maximumf %reduce_sum3A_178, %max3A_179 : f32
    %div3A_181 = arith.divf %add3A_168, %max3A_180 : f32
    %add3A_182 = arith.addf %add3A_151, %div3A_181 : f32
    %get3A_183 = arith.constant 0 : index
    %get3A_184 = arith.constant 96 : index
    %get3A_185 = vector.load %arg0[%get3A_183, %get3A_184] : memref<32x256xf32, #tpu.memory_space<vmem>>, vector<32x16xf32>
    %reduce_sum3A_186 = vector.shape_cast %get3A_185 : vector<32x16xf32> to vector<1x32x16xf32>
    %reduce_sum3A_187 = arith.constant dense<0.000000e+00> : vector<1xf32>
    %reduce_sum3A_188 = vector.multi_reduction <add>, %reduce_sum3A_186, %reduce_sum3A_187 [1, 2] : vector<1x32x16xf32> to vector<1xf32>
    %reduce_sum3A_189 = vector.shape_cast %reduce_sum3A_188 : vector<1xf32> to vector<1x1x1xf32>
    %reduce_sum3A_190 = vector.extract %reduce_sum3A_189[0, 0, 0] : f32 from vector<1x1x1xf32>
    %get3A_191 = arith.constant 6 : index
    %get3A_192 = arith.constant 0 : index
    %get3A_193 = vector.load %arg1[%get3A_191, %get3A_192] : memref<16x256xf32, #tpu.memory_space<vmem>>, vector<1x256xf32>
    %reduce_sum3A_194 = vector.shape_cast %get3A_193 : vector<1x256xf32> to vector<1x1x256xf32>
    %reduce_sum3A_195 = arith.constant dense<0.000000e+00> : vector<1xf32>
    %reduce_sum3A_196 = vector.multi_reduction <add>, %reduce_sum3A_194, %reduce_sum3A_195 [1, 2] : vector<1x1x256xf32> to vector<1xf32>
    %reduce_sum3A_197 = vector.shape_cast %reduce_sum3A_196 : vector<1xf32> to vector<1x1x1xf32>
    %reduce_sum3A_198 = vector.extract %reduce_sum3A_197[0, 0, 0] : f32 from vector<1x1x1xf32>
    %add3A_199 = arith.addf %reduce_sum3A_190, %reduce_sum3A_198 : f32
    %eq3A_200 = arith.constant 6 : i32
    %eq3A_201 = vector.broadcast %eq3A_200 : i32 to vector<256x128xi32>
    %eq3A_202 = arith.cmpi eq, %get3A_1, %eq3A_201 : vector<256x128xi32>
    %convert_element_type3A_203 = arith.extui %eq3A_202 : vector<256x128xi1> to vector<256x128xi32>
    %convert_element_type3A_204 = arith.sitofp %convert_element_type3A_203 : vector<256x128xi32> to vector<256x128xf32>
    %reduce_sum3A_205 = vector.shape_cast %convert_element_type3A_204 : vector<256x128xf32> to vector<1x256x128xf32>
    %reduce_sum3A_206 = arith.constant dense<0.000000e+00> : vector<1xf32>
    %reduce_sum3A_207 = vector.multi_reduction <add>, %reduce_sum3A_205, %reduce_sum3A_206 [1, 2] : vector<1x256x128xf32> to vector<1xf32>
    %reduce_sum3A_208 = vector.shape_cast %reduce_sum3A_207 : vector<1xf32> to vector<1x1x1xf32>
    %reduce_sum3A_209 = vector.extract %reduce_sum3A_208[0, 0, 0] : f32 from vector<1x1x1xf32>
    %max3A_210 = arith.constant 1.000000e+00 : f32
    %max3A_211 = arith.maximumf %reduce_sum3A_209, %max3A_210 : f32
    %div3A_212 = arith.divf %add3A_199, %max3A_211 : f32
    %add3A_213 = arith.addf %add3A_182, %div3A_212 : f32
    %get3A_214 = arith.constant 0 : index
    %get3A_215 = arith.constant 112 : index
    %get3A_216 = vector.load %arg0[%get3A_214, %get3A_215] : memref<32x256xf32, #tpu.memory_space<vmem>>, vector<32x16xf32>
    %reduce_sum3A_217 = vector.shape_cast %get3A_216 : vector<32x16xf32> to vector<1x32x16xf32>
    %reduce_sum3A_218 = arith.constant dense<0.000000e+00> : vector<1xf32>
    %reduce_sum3A_219 = vector.multi_reduction <add>, %reduce_sum3A_217, %reduce_sum3A_218 [1, 2] : vector<1x32x16xf32> to vector<1xf32>
    %reduce_sum3A_220 = vector.shape_cast %reduce_sum3A_219 : vector<1xf32> to vector<1x1x1xf32>
    %reduce_sum3A_221 = vector.extract %reduce_sum3A_220[0, 0, 0] : f32 from vector<1x1x1xf32>
    %get3A_222 = arith.constant 7 : index
    %get3A_223 = arith.constant 0 : index
    %get3A_224 = vector.load %arg1[%get3A_222, %get3A_223] : memref<16x256xf32, #tpu.memory_space<vmem>>, vector<1x256xf32>
    %reduce_sum3A_225 = vector.shape_cast %get3A_224 : vector<1x256xf32> to vector<1x1x256xf32>
    %reduce_sum3A_226 = arith.constant dense<0.000000e+00> : vector<1xf32>
    %reduce_sum3A_227 = vector.multi_reduction <add>, %reduce_sum3A_225, %reduce_sum3A_226 [1, 2] : vector<1x1x256xf32> to vector<1xf32>
    %reduce_sum3A_228 = vector.shape_cast %reduce_sum3A_227 : vector<1xf32> to vector<1x1x1xf32>
    %reduce_sum3A_229 = vector.extract %reduce_sum3A_228[0, 0, 0] : f32 from vector<1x1x1xf32>
    %add3A_230 = arith.addf %reduce_sum3A_221, %reduce_sum3A_229 : f32
    %eq3A_231 = arith.constant 7 : i32
    %eq3A_232 = vector.broadcast %eq3A_231 : i32 to vector<256x128xi32>
    %eq3A_233 = arith.cmpi eq, %get3A_1, %eq3A_232 : vector<256x128xi32>
    %convert_element_type3A_234 = arith.extui %eq3A_233 : vector<256x128xi1> to vector<256x128xi32>
    %convert_element_type3A_235 = arith.sitofp %convert_element_type3A_234 : vector<256x128xi32> to vector<256x128xf32>
    %reduce_sum3A_236 = vector.shape_cast %convert_element_type3A_235 : vector<256x128xf32> to vector<1x256x128xf32>
    %reduce_sum3A_237 = arith.constant dense<0.000000e+00> : vector<1xf32>
    %reduce_sum3A_238 = vector.multi_reduction <add>, %reduce_sum3A_236, %reduce_sum3A_237 [1, 2] : vector<1x256x128xf32> to vector<1xf32>
    %reduce_sum3A_239 = vector.shape_cast %reduce_sum3A_238 : vector<1xf32> to vector<1x1x1xf32>
    %reduce_sum3A_240 = vector.extract %reduce_sum3A_239[0, 0, 0] : f32 from vector<1x1x1xf32>
    %max3A_241 = arith.constant 1.000000e+00 : f32
    %max3A_242 = arith.maximumf %reduce_sum3A_240, %max3A_241 : f32
    %div3A_243 = arith.divf %add3A_230, %max3A_242 : f32
    %add3A_244 = arith.addf %add3A_213, %div3A_243 : f32
    %get3A_245 = arith.constant 0 : index
    %get3A_246 = arith.constant 128 : index
    %get3A_247 = vector.load %arg0[%get3A_245, %get3A_246] : memref<32x256xf32, #tpu.memory_space<vmem>>, vector<32x16xf32>
    %reduce_sum3A_248 = vector.shape_cast %get3A_247 : vector<32x16xf32> to vector<1x32x16xf32>
    %reduce_sum3A_249 = arith.constant dense<0.000000e+00> : vector<1xf32>
    %reduce_sum3A_250 = vector.multi_reduction <add>, %reduce_sum3A_248, %reduce_sum3A_249 [1, 2] : vector<1x32x16xf32> to vector<1xf32>
    %reduce_sum3A_251 = vector.shape_cast %reduce_sum3A_250 : vector<1xf32> to vector<1x1x1xf32>
    %reduce_sum3A_252 = vector.extract %reduce_sum3A_251[0, 0, 0] : f32 from vector<1x1x1xf32>
    %get3A_253 = arith.constant 8 : index
    %get3A_254 = arith.constant 0 : index
    %get3A_255 = vector.load %arg1[%get3A_253, %get3A_254] : memref<16x256xf32, #tpu.memory_space<vmem>>, vector<1x256xf32>
    %reduce_sum3A_256 = vector.shape_cast %get3A_255 : vector<1x256xf32> to vector<1x1x256xf32>
    %reduce_sum3A_257 = arith.constant dense<0.000000e+00> : vector<1xf32>
    %reduce_sum3A_258 = vector.multi_reduction <add>, %reduce_sum3A_256, %reduce_sum3A_257 [1, 2] : vector<1x1x256xf32> to vector<1xf32>
    %reduce_sum3A_259 = vector.shape_cast %reduce_sum3A_258 : vector<1xf32> to vector<1x1x1xf32>
    %reduce_sum3A_260 = vector.extract %reduce_sum3A_259[0, 0, 0] : f32 from vector<1x1x1xf32>
    %add3A_261 = arith.addf %reduce_sum3A_252, %reduce_sum3A_260 : f32
    %eq3A_262 = arith.constant 8 : i32
    %eq3A_263 = vector.broadcast %eq3A_262 : i32 to vector<256x128xi32>
    %eq3A_264 = arith.cmpi eq, %get3A_1, %eq3A_263 : vector<256x128xi32>
    %convert_element_type3A_265 = arith.extui %eq3A_264 : vector<256x128xi1> to vector<256x128xi32>
    %convert_element_type3A_266 = arith.sitofp %convert_element_type3A_265 : vector<256x128xi32> to vector<256x128xf32>
    %reduce_sum3A_267 = vector.shape_cast %convert_element_type3A_266 : vector<256x128xf32> to vector<1x256x128xf32>
    %reduce_sum3A_268 = arith.constant dense<0.000000e+00> : vector<1xf32>
    %reduce_sum3A_269 = vector.multi_reduction <add>, %reduce_sum3A_267, %reduce_sum3A_268 [1, 2] : vector<1x256x128xf32> to vector<1xf32>
    %reduce_sum3A_270 = vector.shape_cast %reduce_sum3A_269 : vector<1xf32> to vector<1x1x1xf32>
    %reduce_sum3A_271 = vector.extract %reduce_sum3A_270[0, 0, 0] : f32 from vector<1x1x1xf32>
    %max3A_272 = arith.constant 1.000000e+00 : f32
    %max3A_273 = arith.maximumf %reduce_sum3A_271, %max3A_272 : f32
    %div3A_274 = arith.divf %add3A_261, %max3A_273 : f32
    %add3A_275 = arith.addf %add3A_244, %div3A_274 : f32
    %get3A_276 = arith.constant 0 : index
    %get3A_277 = arith.constant 144 : index
    %get3A_278 = vector.load %arg0[%get3A_276, %get3A_277] : memref<32x256xf32, #tpu.memory_space<vmem>>, vector<32x16xf32>
    %reduce_sum3A_279 = vector.shape_cast %get3A_278 : vector<32x16xf32> to vector<1x32x16xf32>
    %reduce_sum3A_280 = arith.constant dense<0.000000e+00> : vector<1xf32>
    %reduce_sum3A_281 = vector.multi_reduction <add>, %reduce_sum3A_279, %reduce_sum3A_280 [1, 2] : vector<1x32x16xf32> to vector<1xf32>
    %reduce_sum3A_282 = vector.shape_cast %reduce_sum3A_281 : vector<1xf32> to vector<1x1x1xf32>
    %reduce_sum3A_283 = vector.extract %reduce_sum3A_282[0, 0, 0] : f32 from vector<1x1x1xf32>
    %get3A_284 = arith.constant 9 : index
    %get3A_285 = arith.constant 0 : index
    %get3A_286 = vector.load %arg1[%get3A_284, %get3A_285] : memref<16x256xf32, #tpu.memory_space<vmem>>, vector<1x256xf32>
    %reduce_sum3A_287 = vector.shape_cast %get3A_286 : vector<1x256xf32> to vector<1x1x256xf32>
    %reduce_sum3A_288 = arith.constant dense<0.000000e+00> : vector<1xf32>
    %reduce_sum3A_289 = vector.multi_reduction <add>, %reduce_sum3A_287, %reduce_sum3A_288 [1, 2] : vector<1x1x256xf32> to vector<1xf32>
    %reduce_sum3A_290 = vector.shape_cast %reduce_sum3A_289 : vector<1xf32> to vector<1x1x1xf32>
    %reduce_sum3A_291 = vector.extract %reduce_sum3A_290[0, 0, 0] : f32 from vector<1x1x1xf32>
    %add3A_292 = arith.addf %reduce_sum3A_283, %reduce_sum3A_291 : f32
    %eq3A_293 = arith.constant 9 : i32
    %eq3A_294 = vector.broadcast %eq3A_293 : i32 to vector<256x128xi32>
    %eq3A_295 = arith.cmpi eq, %get3A_1, %eq3A_294 : vector<256x128xi32>
    %convert_element_type3A_296 = arith.extui %eq3A_295 : vector<256x128xi1> to vector<256x128xi32>
    %convert_element_type3A_297 = arith.sitofp %convert_element_type3A_296 : vector<256x128xi32> to vector<256x128xf32>
    %reduce_sum3A_298 = vector.shape_cast %convert_element_type3A_297 : vector<256x128xf32> to vector<1x256x128xf32>
    %reduce_sum3A_299 = arith.constant dense<0.000000e+00> : vector<1xf32>
    %reduce_sum3A_300 = vector.multi_reduction <add>, %reduce_sum3A_298, %reduce_sum3A_299 [1, 2] : vector<1x256x128xf32> to vector<1xf32>
    %reduce_sum3A_301 = vector.shape_cast %reduce_sum3A_300 : vector<1xf32> to vector<1x1x1xf32>
    %reduce_sum3A_302 = vector.extract %reduce_sum3A_301[0, 0, 0] : f32 from vector<1x1x1xf32>
    %max3A_303 = arith.constant 1.000000e+00 : f32
    %max3A_304 = arith.maximumf %reduce_sum3A_302, %max3A_303 : f32
    %div3A_305 = arith.divf %add3A_292, %max3A_304 : f32
    %add3A_306 = arith.addf %add3A_275, %div3A_305 : f32
    %get3A_307 = arith.constant 0 : index
    %get3A_308 = arith.constant 160 : index
    %get3A_309 = vector.load %arg0[%get3A_307, %get3A_308] : memref<32x256xf32, #tpu.memory_space<vmem>>, vector<32x16xf32>
    %reduce_sum3A_310 = vector.shape_cast %get3A_309 : vector<32x16xf32> to vector<1x32x16xf32>
    %reduce_sum3A_311 = arith.constant dense<0.000000e+00> : vector<1xf32>
    %reduce_sum3A_312 = vector.multi_reduction <add>, %reduce_sum3A_310, %reduce_sum3A_311 [1, 2] : vector<1x32x16xf32> to vector<1xf32>
    %reduce_sum3A_313 = vector.shape_cast %reduce_sum3A_312 : vector<1xf32> to vector<1x1x1xf32>
    %reduce_sum3A_314 = vector.extract %reduce_sum3A_313[0, 0, 0] : f32 from vector<1x1x1xf32>
    %get3A_315 = arith.constant 10 : index
    %get3A_316 = arith.constant 0 : index
    %get3A_317 = vector.load %arg1[%get3A_315, %get3A_316] : memref<16x256xf32, #tpu.memory_space<vmem>>, vector<1x256xf32>
    %reduce_sum3A_318 = vector.shape_cast %get3A_317 : vector<1x256xf32> to vector<1x1x256xf32>
    %reduce_sum3A_319 = arith.constant dense<0.000000e+00> : vector<1xf32>
    %reduce_sum3A_320 = vector.multi_reduction <add>, %reduce_sum3A_318, %reduce_sum3A_319 [1, 2] : vector<1x1x256xf32> to vector<1xf32>
    %reduce_sum3A_321 = vector.shape_cast %reduce_sum3A_320 : vector<1xf32> to vector<1x1x1xf32>
    %reduce_sum3A_322 = vector.extract %reduce_sum3A_321[0, 0, 0] : f32 from vector<1x1x1xf32>
    %add3A_323 = arith.addf %reduce_sum3A_314, %reduce_sum3A_322 : f32
    %eq3A_324 = arith.constant 10 : i32
    %eq3A_325 = vector.broadcast %eq3A_324 : i32 to vector<256x128xi32>
    %eq3A_326 = arith.cmpi eq, %get3A_1, %eq3A_325 : vector<256x128xi32>
    %convert_element_type3A_327 = arith.extui %eq3A_326 : vector<256x128xi1> to vector<256x128xi32>
    %convert_element_type3A_328 = arith.sitofp %convert_element_type3A_327 : vector<256x128xi32> to vector<256x128xf32>
    %reduce_sum3A_329 = vector.shape_cast %convert_element_type3A_328 : vector<256x128xf32> to vector<1x256x128xf32>
    %reduce_sum3A_330 = arith.constant dense<0.000000e+00> : vector<1xf32>
    %reduce_sum3A_331 = vector.multi_reduction <add>, %reduce_sum3A_329, %reduce_sum3A_330 [1, 2] : vector<1x256x128xf32> to vector<1xf32>
    %reduce_sum3A_332 = vector.shape_cast %reduce_sum3A_331 : vector<1xf32> to vector<1x1x1xf32>
    %reduce_sum3A_333 = vector.extract %reduce_sum3A_332[0, 0, 0] : f32 from vector<1x1x1xf32>
    %max3A_334 = arith.constant 1.000000e+00 : f32
    %max3A_335 = arith.maximumf %reduce_sum3A_333, %max3A_334 : f32
    %div3A_336 = arith.divf %add3A_323, %max3A_335 : f32
    %add3A_337 = arith.addf %add3A_306, %div3A_336 : f32
    %get3A_338 = arith.constant 0 : index
    %get3A_339 = arith.constant 176 : index
    %get3A_340 = vector.load %arg0[%get3A_338, %get3A_339] : memref<32x256xf32, #tpu.memory_space<vmem>>, vector<32x16xf32>
    %reduce_sum3A_341 = vector.shape_cast %get3A_340 : vector<32x16xf32> to vector<1x32x16xf32>
    %reduce_sum3A_342 = arith.constant dense<0.000000e+00> : vector<1xf32>
    %reduce_sum3A_343 = vector.multi_reduction <add>, %reduce_sum3A_341, %reduce_sum3A_342 [1, 2] : vector<1x32x16xf32> to vector<1xf32>
    %reduce_sum3A_344 = vector.shape_cast %reduce_sum3A_343 : vector<1xf32> to vector<1x1x1xf32>
    %reduce_sum3A_345 = vector.extract %reduce_sum3A_344[0, 0, 0] : f32 from vector<1x1x1xf32>
    %get3A_346 = arith.constant 11 : index
    %get3A_347 = arith.constant 0 : index
    %get3A_348 = vector.load %arg1[%get3A_346, %get3A_347] : memref<16x256xf32, #tpu.memory_space<vmem>>, vector<1x256xf32>
    %reduce_sum3A_349 = vector.shape_cast %get3A_348 : vector<1x256xf32> to vector<1x1x256xf32>
    %reduce_sum3A_350 = arith.constant dense<0.000000e+00> : vector<1xf32>
    %reduce_sum3A_351 = vector.multi_reduction <add>, %reduce_sum3A_349, %reduce_sum3A_350 [1, 2] : vector<1x1x256xf32> to vector<1xf32>
    %reduce_sum3A_352 = vector.shape_cast %reduce_sum3A_351 : vector<1xf32> to vector<1x1x1xf32>
    %reduce_sum3A_353 = vector.extract %reduce_sum3A_352[0, 0, 0] : f32 from vector<1x1x1xf32>
    %add3A_354 = arith.addf %reduce_sum3A_345, %reduce_sum3A_353 : f32
    %eq3A_355 = arith.constant 11 : i32
    %eq3A_356 = vector.broadcast %eq3A_355 : i32 to vector<256x128xi32>
    %eq3A_357 = arith.cmpi eq, %get3A_1, %eq3A_356 : vector<256x128xi32>
    %convert_element_type3A_358 = arith.extui %eq3A_357 : vector<256x128xi1> to vector<256x128xi32>
    %convert_element_type3A_359 = arith.sitofp %convert_element_type3A_358 : vector<256x128xi32> to vector<256x128xf32>
    %reduce_sum3A_360 = vector.shape_cast %convert_element_type3A_359 : vector<256x128xf32> to vector<1x256x128xf32>
    %reduce_sum3A_361 = arith.constant dense<0.000000e+00> : vector<1xf32>
    %reduce_sum3A_362 = vector.multi_reduction <add>, %reduce_sum3A_360, %reduce_sum3A_361 [1, 2] : vector<1x256x128xf32> to vector<1xf32>
    %reduce_sum3A_363 = vector.shape_cast %reduce_sum3A_362 : vector<1xf32> to vector<1x1x1xf32>
    %reduce_sum3A_364 = vector.extract %reduce_sum3A_363[0, 0, 0] : f32 from vector<1x1x1xf32>
    %max3A_365 = arith.constant 1.000000e+00 : f32
    %max3A_366 = arith.maximumf %reduce_sum3A_364, %max3A_365 : f32
    %div3A_367 = arith.divf %add3A_354, %max3A_366 : f32
    %add3A_368 = arith.addf %add3A_337, %div3A_367 : f32
    %get3A_369 = arith.constant 0 : index
    %get3A_370 = arith.constant 192 : index
    %get3A_371 = vector.load %arg0[%get3A_369, %get3A_370] : memref<32x256xf32, #tpu.memory_space<vmem>>, vector<32x16xf32>
    %reduce_sum3A_372 = vector.shape_cast %get3A_371 : vector<32x16xf32> to vector<1x32x16xf32>
    %reduce_sum3A_373 = arith.constant dense<0.000000e+00> : vector<1xf32>
    %reduce_sum3A_374 = vector.multi_reduction <add>, %reduce_sum3A_372, %reduce_sum3A_373 [1, 2] : vector<1x32x16xf32> to vector<1xf32>
    %reduce_sum3A_375 = vector.shape_cast %reduce_sum3A_374 : vector<1xf32> to vector<1x1x1xf32>
    %reduce_sum3A_376 = vector.extract %reduce_sum3A_375[0, 0, 0] : f32 from vector<1x1x1xf32>
    %get3A_377 = arith.constant 12 : index
    %get3A_378 = arith.constant 0 : index
    %get3A_379 = vector.load %arg1[%get3A_377, %get3A_378] : memref<16x256xf32, #tpu.memory_space<vmem>>, vector<1x256xf32>
    %reduce_sum3A_380 = vector.shape_cast %get3A_379 : vector<1x256xf32> to vector<1x1x256xf32>
    %reduce_sum3A_381 = arith.constant dense<0.000000e+00> : vector<1xf32>
    %reduce_sum3A_382 = vector.multi_reduction <add>, %reduce_sum3A_380, %reduce_sum3A_381 [1, 2] : vector<1x1x256xf32> to vector<1xf32>
    %reduce_sum3A_383 = vector.shape_cast %reduce_sum3A_382 : vector<1xf32> to vector<1x1x1xf32>
    %reduce_sum3A_384 = vector.extract %reduce_sum3A_383[0, 0, 0] : f32 from vector<1x1x1xf32>
    %add3A_385 = arith.addf %reduce_sum3A_376, %reduce_sum3A_384 : f32
    %eq3A_386 = arith.constant 12 : i32
    %eq3A_387 = vector.broadcast %eq3A_386 : i32 to vector<256x128xi32>
    %eq3A_388 = arith.cmpi eq, %get3A_1, %eq3A_387 : vector<256x128xi32>
    %convert_element_type3A_389 = arith.extui %eq3A_388 : vector<256x128xi1> to vector<256x128xi32>
    %convert_element_type3A_390 = arith.sitofp %convert_element_type3A_389 : vector<256x128xi32> to vector<256x128xf32>
    %reduce_sum3A_391 = vector.shape_cast %convert_element_type3A_390 : vector<256x128xf32> to vector<1x256x128xf32>
    %reduce_sum3A_392 = arith.constant dense<0.000000e+00> : vector<1xf32>
    %reduce_sum3A_393 = vector.multi_reduction <add>, %reduce_sum3A_391, %reduce_sum3A_392 [1, 2] : vector<1x256x128xf32> to vector<1xf32>
    %reduce_sum3A_394 = vector.shape_cast %reduce_sum3A_393 : vector<1xf32> to vector<1x1x1xf32>
    %reduce_sum3A_395 = vector.extract %reduce_sum3A_394[0, 0, 0] : f32 from vector<1x1x1xf32>
    %max3A_396 = arith.constant 1.000000e+00 : f32
    %max3A_397 = arith.maximumf %reduce_sum3A_395, %max3A_396 : f32
    %div3A_398 = arith.divf %add3A_385, %max3A_397 : f32
    %add3A_399 = arith.addf %add3A_368, %div3A_398 : f32
    %get3A_400 = arith.constant 0 : index
    %get3A_401 = arith.constant 208 : index
    %get3A_402 = vector.load %arg0[%get3A_400, %get3A_401] : memref<32x256xf32, #tpu.memory_space<vmem>>, vector<32x16xf32>
    %reduce_sum3A_403 = vector.shape_cast %get3A_402 : vector<32x16xf32> to vector<1x32x16xf32>
    %reduce_sum3A_404 = arith.constant dense<0.000000e+00> : vector<1xf32>
    %reduce_sum3A_405 = vector.multi_reduction <add>, %reduce_sum3A_403, %reduce_sum3A_404 [1, 2] : vector<1x32x16xf32> to vector<1xf32>
    %reduce_sum3A_406 = vector.shape_cast %reduce_sum3A_405 : vector<1xf32> to vector<1x1x1xf32>
    %reduce_sum3A_407 = vector.extract %reduce_sum3A_406[0, 0, 0] : f32 from vector<1x1x1xf32>
    %get3A_408 = arith.constant 13 : index
    %get3A_409 = arith.constant 0 : index
    %get3A_410 = vector.load %arg1[%get3A_408, %get3A_409] : memref<16x256xf32, #tpu.memory_space<vmem>>, vector<1x256xf32>
    %reduce_sum3A_411 = vector.shape_cast %get3A_410 : vector<1x256xf32> to vector<1x1x256xf32>
    %reduce_sum3A_412 = arith.constant dense<0.000000e+00> : vector<1xf32>
    %reduce_sum3A_413 = vector.multi_reduction <add>, %reduce_sum3A_411, %reduce_sum3A_412 [1, 2] : vector<1x1x256xf32> to vector<1xf32>
    %reduce_sum3A_414 = vector.shape_cast %reduce_sum3A_413 : vector<1xf32> to vector<1x1x1xf32>
    %reduce_sum3A_415 = vector.extract %reduce_sum3A_414[0, 0, 0] : f32 from vector<1x1x1xf32>
    %add3A_416 = arith.addf %reduce_sum3A_407, %reduce_sum3A_415 : f32
    %eq3A_417 = arith.constant 13 : i32
    %eq3A_418 = vector.broadcast %eq3A_417 : i32 to vector<256x128xi32>
    %eq3A_419 = arith.cmpi eq, %get3A_1, %eq3A_418 : vector<256x128xi32>
    %convert_element_type3A_420 = arith.extui %eq3A_419 : vector<256x128xi1> to vector<256x128xi32>
    %convert_element_type3A_421 = arith.sitofp %convert_element_type3A_420 : vector<256x128xi32> to vector<256x128xf32>
    %reduce_sum3A_422 = vector.shape_cast %convert_element_type3A_421 : vector<256x128xf32> to vector<1x256x128xf32>
    %reduce_sum3A_423 = arith.constant dense<0.000000e+00> : vector<1xf32>
    %reduce_sum3A_424 = vector.multi_reduction <add>, %reduce_sum3A_422, %reduce_sum3A_423 [1, 2] : vector<1x256x128xf32> to vector<1xf32>
    %reduce_sum3A_425 = vector.shape_cast %reduce_sum3A_424 : vector<1xf32> to vector<1x1x1xf32>
    %reduce_sum3A_426 = vector.extract %reduce_sum3A_425[0, 0, 0] : f32 from vector<1x1x1xf32>
    %max3A_427 = arith.constant 1.000000e+00 : f32
    %max3A_428 = arith.maximumf %reduce_sum3A_426, %max3A_427 : f32
    %div3A_429 = arith.divf %add3A_416, %max3A_428 : f32
    %add3A_430 = arith.addf %add3A_399, %div3A_429 : f32
    %get3A_431 = arith.constant 0 : index
    %get3A_432 = arith.constant 224 : index
    %get3A_433 = vector.load %arg0[%get3A_431, %get3A_432] : memref<32x256xf32, #tpu.memory_space<vmem>>, vector<32x16xf32>
    %reduce_sum3A_434 = vector.shape_cast %get3A_433 : vector<32x16xf32> to vector<1x32x16xf32>
    %reduce_sum3A_435 = arith.constant dense<0.000000e+00> : vector<1xf32>
    %reduce_sum3A_436 = vector.multi_reduction <add>, %reduce_sum3A_434, %reduce_sum3A_435 [1, 2] : vector<1x32x16xf32> to vector<1xf32>
    %reduce_sum3A_437 = vector.shape_cast %reduce_sum3A_436 : vector<1xf32> to vector<1x1x1xf32>
    %reduce_sum3A_438 = vector.extract %reduce_sum3A_437[0, 0, 0] : f32 from vector<1x1x1xf32>
    %get3A_439 = arith.constant 14 : index
    %get3A_440 = arith.constant 0 : index
    %get3A_441 = vector.load %arg1[%get3A_439, %get3A_440] : memref<16x256xf32, #tpu.memory_space<vmem>>, vector<1x256xf32>
    %reduce_sum3A_442 = vector.shape_cast %get3A_441 : vector<1x256xf32> to vector<1x1x256xf32>
    %reduce_sum3A_443 = arith.constant dense<0.000000e+00> : vector<1xf32>
    %reduce_sum3A_444 = vector.multi_reduction <add>, %reduce_sum3A_442, %reduce_sum3A_443 [1, 2] : vector<1x1x256xf32> to vector<1xf32>
    %reduce_sum3A_445 = vector.shape_cast %reduce_sum3A_444 : vector<1xf32> to vector<1x1x1xf32>
    %reduce_sum3A_446 = vector.extract %reduce_sum3A_445[0, 0, 0] : f32 from vector<1x1x1xf32>
    %add3A_447 = arith.addf %reduce_sum3A_438, %reduce_sum3A_446 : f32
    %eq3A_448 = arith.constant 14 : i32
    %eq3A_449 = vector.broadcast %eq3A_448 : i32 to vector<256x128xi32>
    %eq3A_450 = arith.cmpi eq, %get3A_1, %eq3A_449 : vector<256x128xi32>
    %convert_element_type3A_451 = arith.extui %eq3A_450 : vector<256x128xi1> to vector<256x128xi32>
    %convert_element_type3A_452 = arith.sitofp %convert_element_type3A_451 : vector<256x128xi32> to vector<256x128xf32>
    %reduce_sum3A_453 = vector.shape_cast %convert_element_type3A_452 : vector<256x128xf32> to vector<1x256x128xf32>
    %reduce_sum3A_454 = arith.constant dense<0.000000e+00> : vector<1xf32>
    %reduce_sum3A_455 = vector.multi_reduction <add>, %reduce_sum3A_453, %reduce_sum3A_454 [1, 2] : vector<1x256x128xf32> to vector<1xf32>
    %reduce_sum3A_456 = vector.shape_cast %reduce_sum3A_455 : vector<1xf32> to vector<1x1x1xf32>
    %reduce_sum3A_457 = vector.extract %reduce_sum3A_456[0, 0, 0] : f32 from vector<1x1x1xf32>
    %max3A_458 = arith.constant 1.000000e+00 : f32
    %max3A_459 = arith.maximumf %reduce_sum3A_457, %max3A_458 : f32
    %div3A_460 = arith.divf %add3A_447, %max3A_459 : f32
    %add3A_461 = arith.addf %add3A_430, %div3A_460 : f32
    %get3A_462 = arith.constant 0 : index
    %get3A_463 = arith.constant 240 : index
    %get3A_464 = vector.load %arg0[%get3A_462, %get3A_463] : memref<32x256xf32, #tpu.memory_space<vmem>>, vector<32x16xf32>
    %reduce_sum3A_465 = vector.shape_cast %get3A_464 : vector<32x16xf32> to vector<1x32x16xf32>
    %reduce_sum3A_466 = arith.constant dense<0.000000e+00> : vector<1xf32>
    %reduce_sum3A_467 = vector.multi_reduction <add>, %reduce_sum3A_465, %reduce_sum3A_466 [1, 2] : vector<1x32x16xf32> to vector<1xf32>
    %reduce_sum3A_468 = vector.shape_cast %reduce_sum3A_467 : vector<1xf32> to vector<1x1x1xf32>
    %reduce_sum3A_469 = vector.extract %reduce_sum3A_468[0, 0, 0] : f32 from vector<1x1x1xf32>
    %get3A_470 = arith.constant 15 : index
    %get3A_471 = arith.constant 0 : index
    %get3A_472 = vector.load %arg1[%get3A_470, %get3A_471] : memref<16x256xf32, #tpu.memory_space<vmem>>, vector<1x256xf32>
    %reduce_sum3A_473 = vector.shape_cast %get3A_472 : vector<1x256xf32> to vector<1x1x256xf32>
    %reduce_sum3A_474 = arith.constant dense<0.000000e+00> : vector<1xf32>
    %reduce_sum3A_475 = vector.multi_reduction <add>, %reduce_sum3A_473, %reduce_sum3A_474 [1, 2] : vector<1x1x256xf32> to vector<1xf32>
    %reduce_sum3A_476 = vector.shape_cast %reduce_sum3A_475 : vector<1xf32> to vector<1x1x1xf32>
    %reduce_sum3A_477 = vector.extract %reduce_sum3A_476[0, 0, 0] : f32 from vector<1x1x1xf32>
    %add3A_478 = arith.addf %reduce_sum3A_469, %reduce_sum3A_477 : f32
    %eq3A_479 = arith.constant 15 : i32
    %eq3A_480 = vector.broadcast %eq3A_479 : i32 to vector<256x128xi32>
    %eq3A_481 = arith.cmpi eq, %get3A_1, %eq3A_480 : vector<256x128xi32>
    %convert_element_type3A_482 = arith.extui %eq3A_481 : vector<256x128xi1> to vector<256x128xi32>
    %convert_element_type3A_483 = arith.sitofp %convert_element_type3A_482 : vector<256x128xi32> to vector<256x128xf32>
    %reduce_sum3A_484 = vector.shape_cast %convert_element_type3A_483 : vector<256x128xf32> to vector<1x256x128xf32>
    %reduce_sum3A_485 = arith.constant dense<0.000000e+00> : vector<1xf32>
    %reduce_sum3A_486 = vector.multi_reduction <add>, %reduce_sum3A_484, %reduce_sum3A_485 [1, 2] : vector<1x256x128xf32> to vector<1xf32>
    %reduce_sum3A_487 = vector.shape_cast %reduce_sum3A_486 : vector<1xf32> to vector<1x1x1xf32>
    %reduce_sum3A_488 = vector.extract %reduce_sum3A_487[0, 0, 0] : f32 from vector<1x1x1xf32>
    %max3A_489 = arith.constant 1.000000e+00 : f32
    %max3A_490 = arith.maximumf %reduce_sum3A_488, %max3A_489 : f32
    %div3A_491 = arith.divf %add3A_478, %max3A_490 : f32
    %add3A_492 = arith.addf %add3A_461, %div3A_491 : f32
    %div3A_493 = arith.constant 4.096000e+03 : f32
    %div3A_494 = arith.divf %add3A_492, %div3A_493 : f32
    %broadcast_in_dim3A = vector.broadcast %div3A_494 : f32 to vector<1x1xf32>
    %swap3A = arith.constant 0 : index
    %swap3A_495 = arith.constant 0 : index
    %swap3A_496 = vector.load %arg3[%swap3A, %swap3A_495] : memref<1x1xf32, #tpu.memory_space<vmem>>, vector<1x1xf32>
    tpu.vector_store %arg3[%swap3A, %swap3A_495], %broadcast_in_dim3A {strides = array<i32>} : memref<1x1xf32, #tpu.memory_space<vmem>>, vector<1x1xf32>,
    return
  }
}

</mosaic_0001>

<sc_bundles>
// kernel: kernel.5.cloned.1.call-start
scs
__scs_entry_jumppad:
0x0: {  	(pc) =	sbr.rel $0x88, $3  }
0x1: {  	(tag) =	ssettag $0x0;
	lr =	simm.s32 $0x1  }
0x2: {  	[smem:$0x3F9E] =	sst lr;
	_ =	strace $0xD0000000  }
0x3: {  	_ = 	snop  }
0x4: {  	_ = 	snop  }
0x5: {  	_ = 	snop  }
0x6: {  	_ = 	snop  }
0x7: {  	_ = 	snop  }
__scs_overlays_trampoline_lowered:
0x8: {  	[smem:$0x3FAD] =	sst s0  }
0x9: {  	[smem:$0x3FAE] =	sst s1  }
0xa: {  	[smem:$0x3FAF] =	sst s2  }
0xb: {  	[smem:$0x3FB0] =	sst s3  }
0xc: {  	[smem:$0x3FB1] =	sst s4  }
0xd: {  	[smem:$0x3FB2] =	sst s5  }
0xe: {  	[smem:$0x3FB3] =	sst s6  }
0xf: {  	[smem:$0x3FB4] =	sst s7  }
0x10: {  	[smem:$0x3FB5] =	sst s8  }
0x11: {  	[smem:$0x3FB6] =	sst s9;
	s0 =	simm.s32 @!p0 $0x0  }
0x12: {  	s1 =	sld [smem:$0x3F9C];
	s0 =	simm.s32 @p0 $0x1  }
0x13: {  	[smem:$0x3FB7] =	sst s0;
	s0 =	simm.s32 @!p1 $0x0  }
0x14: {  	s2 =	sld [smem:$0x3F9B];
	s0 =	simm.s32 @p1 $0x1  }
0x15: {  	[smem:$0x3FB8] =	sst s0;
	s0 =	simm.s32 @!p2 $0x0  }
0x16: {  	s3 =	sld [smem:$0x3FDB];
	s0 =	simm.s32 @p2 $0x1  }
0x17: {  	s4 =	simm.s32 $0x1BF5;
	[smem:$0x3FBA] =	sst s0  }
0x18: {  	s0 =	sld [smem:$0x3F9D];
	_ =	swait.ge [sflag:s4], $0x0  }
0x19: {  	s7 =	sld [smem:$0x3F9E]  }
0x1a: {  	s8 =	sadd.s32 $0xFFFFE003, lr  }
0x1b: {  	s9 =	sadd.s32 $0xFFFFFEF7, lr;
	s5 =	simm.s32 $0xFFFFFFFF;
	p2 =	slt.u32 s8, $0xFFFFF086  }
0x1c: {  	p1 =	slt.u32 s9, $0xF7A;
	s5 =	simm.s32 @!p2 $0x0  }
0x1d: {  	s5 =	simm.s32 @p1 $0x1;
	p0 =	seq.s32 s7, s2  }
0x1e: {  	s7 =	smul.u32 @!p0 $0xF7A, s2;
	p2 =	seq.s32 @!p0 s5, $0x0  }
0x1f: {  	s9 =	smul.u32 $0xF7A, s1;
	s8 =	simm.s32 @!p0 $0x1BF5;
	p2 =	por !p2, p0  }
0x20: {  	[sflag:s8] =	ssyncset.s32 @!p0 $0xFFFFF086;
	s6 =	sadd.s32 @!p0 s3, s7;
	s7 =	simm.s32 @!p0 $0x108  }
0x21: {  	s3 =	sadd.s32 s3, s9;
	s6 =	sadd.s32 @!p0 $0x88, s6;
	s7 =	simm.s32 @p2 $0x1082  }
0x22: {  	[simem:s7], [sflag:s8] =	dma.local @!p0 [hbm:s6], $0xF7A  }
0x23: {  	s9 =	sor.u32 $0xD0000000, s2;
	s6 =	simm.s32 $0x108;
	_ =	swait.ge @!p0 [sflag:s8], $0x0  }
0x24: {  	s3 =	sadd.s32 $0x88, s3;
	s6 =	simm.s32 @!p1 $0x1082;
	[sflag:s4] =	ssyncset.s32 $0xFFFFF086  }
0x25: {  	[simem:s6], [sflag:s4] =	dma.local [hbm:s3], $0xF7A  }
0x26: {  	[smem:$0x3F9E] =	sst s1;
	(tag) =	ssettag s2;
	_ =	strace s9  }
0x27: {  	s1 =	sld [smem:$0x3FAE]  }
0x28: {  	s2 =	sld [smem:$0x3FAF]  }
0x29: {  	s4 =	sld [smem:$0x3FB1]  }
0x2a: {  	p0 =	seq.s32 s5, $0x0;
	s5 =	sld [smem:$0x3FB2]  }
0x2b: {  	s6 =	sld [smem:$0x3FB3]  }
0x2c: {  	s7 =	sld [smem:$0x3FB4]  }
0x2d: {  	s3 =	simm.s32 $0x108;
	s8 =	sld [smem:$0x3FB5]  }
0x2e: {  	s3 =	simm.s32 @!p0 $0x1082;
	s9 =	sld [smem:$0x3FB6]  }
0x2f: {  	lr =	sadd.s32 s0, s3;
	s0 =	sld [smem:$0x3FAD]  }
0x30: {  	s3 =	sld [smem:$0x3FB0]  }
0x31: {  	[smem:$0x3FB9] =	sst s10  }
0x32: {  	s10 =	sld [smem:$0x3FB7];
	_ =	sdelay $0x3  }
0x33: {  	p0 =	seq.s32 s10, $0x1;
	s10 =	sld [smem:$0x3FB9];
	_ =	sdelay $0x3  }
0x34: {  	[smem:$0x3FB9] =	sst s10  }
0x35: {  	s10 =	sld [smem:$0x3FB8];
	_ =	sdelay $0x3  }
0x36: {  	p1 =	seq.s32 s10, $0x1;
	s10 =	sld [smem:$0x3FB9];
	_ =	sdelay $0x3  }
0x37: {  	[smem:$0x3FB9] =	sst s10  }
0x38: {  	s10 =	sld [smem:$0x3FBA]  }
0x39: {  	_ = 	snop;
	(pc) =	sbr.ind lr, $3  }
0x3a: {  	_ = 	snop  }
0x3b: {  	_ = 	snop  }
0x3c: {  	p2 =	seq.s32 s10, $0x1;
	s10 =	sld [smem:$0x3FB9]  }
0x3d: {  	_ =	shalt  }
0x3e: {  	_ =	shalt  }
0x3f: {  	_ =	shalt  }
0x40: {  	_ =	shalt  }
0x41: {  	_ =	shalt  }
0x42: {  	_ =	shalt  }
0x43: {  	_ =	shalt  }
0x44: {  	_ =	shalt  }
0x45: {  	_ =	shalt  }
0x46: {  	_ =	shalt  }
0x47: {  	_ =	shalt  }
0x48: {  	_ =	shalt  }
0x49: {  	_ =	shalt  }
0x4a: {  	_ =	shalt  }
0x4b: {  	_ =	shalt  }
0x4c: {  	_ =	shalt  }
0x4d: {  	_ =	shalt  }
0x4e: {  	_ =	shalt  }
0x4f: {  	_ =	shalt  }
0x50: {  	_ =	shalt  }
0x51: {  	_ =	shalt  }
0x52: {  	_ =	shalt  }
0x53: {  	_ =	shalt  }
0x54: {  	_ =	shalt  }
0x55: {  	_ =	shalt  }
0x56: {  	_ =	shalt  }
0x57: {  	_ =	shalt  }
0x58: {  	_ =	shalt  }
0x59: {  	_ =	shalt  }
0x5a: {  	_ =	shalt  }
0x5b: {  	_ =	shalt  }
0x5c: {  	_ =	shalt  }
0x5d: {  	_ =	shalt  }
0x5e: {  	_ =	shalt  }
0x5f: {  	_ =	shalt  }
0x60: {  	_ =	shalt  }
0x61: {  	_ =	shalt  }
0x62: {  	_ =	shalt  }
0x63: {  	_ =	shalt  }
0x64: {  	_ =	shalt  }
0x65: {  	_ =	shalt  }
0x66: {  	_ =	shalt  }
0x67: {  	_ =	shalt  }
0x68: {  	_ =	shalt  }
0x69: {  	_ =	shalt  }
0x6a: {  	_ =	shalt  }
0x6b: {  	_ =	shalt  }
0x6c: {  	_ =	shalt  }
0x6d: {  	_ =	shalt  }
0x6e: {  	_ =	shalt  }
0x6f: {  	_ =	shalt  }
0x70: {  	_ =	shalt  }
0x71: {  	_ =	shalt  }
0x72: {  	_ =	shalt  }
0x73: {  	_ =	shalt  }
0x74: {  	_ =	shalt  }
0x75: {  	_ =	shalt  }
0x76: {  	_ =	shalt  }
0x77: {  	_ =	shalt  }
0x78: {  	_ =	shalt  }
0x79: {  	_ =	shalt  }
0x7a: {  	_ =	shalt  }
0x7b: {  	_ =	shalt  }
0x7c: {  	_ =	shalt  }
0x7d: {  	_ =	shalt  }
0x7e: {  	_ =	shalt  }
0x7f: {  	_ =	shalt  }
0x80: {  	_ =	shalt  }
0x81: {  	_ =	shalt  }
0x82: {  	_ =	shalt  }
0x83: {  	_ =	shalt  }
0x84: {  	_ =	shalt  }
0x85: {  	_ =	shalt  }
0x86: {  	_ =	shalt  }
0x87: {  	_ =	shalt  }
.Lfunc_end0:
.L_simem_size_0:
called_computation_lowered:
.L_overlay_start_0:
0x88: {  	s2 =	sld [smem:$0x3FD9]  }
0x89: {  	s3 =	sld [smem:$0x3FFE];
	_ =	sdelay $0x1  }
0x8a: {  	s1 =	srdreg.scid  }
0x8b: {  	s0 =	sand.u32 $0x1, s1  }
0x8c: {  	s17 =	sshll.u32 s0, $0xA;
	s2 =	sadd.s32 s3, s2  }
0x8d: {  	s2 =	sadd.s32 s2, s17  }
0x8e: {  	[smem:$0x3FC5] =	sst s2  }
0x8f: {  	_ = 	snop  }
0x90: {  	s2 =	sld [smem:$0x3FC9]  }
0x91: {  	s18 =	sld [smem:$0x3FC8]  }
0x92: {  	s4 =	sld [smem:$0x3FC7];
	(tm) =	ssettm $0x1  }
0x93: {  	s5 =	sld [smem:$0x3FFB];
	_ =	sdelay $0x3  }
0x94: {  	_ =	strace s5  }
0x95: {  	s5 =	sld [smem:$0x3FFC];
	_ =	sdelay $0x3  }
0x96: {  	_ =	strace s5  }
0x97: {  	s5 =	sld [smem:$0x3FFD];
	_ =	sdelay $0x3  }
0x98: {  	_ =	strace s5  }
0x99: {  	_ =	strace $0x8FFFFFFF  }
0x9a: {  	s19 =	sld [smem:$0x3FDB];
	_ =	sdelay $0x1  }
0x9b: {  	s6 =	simm.s32 $_scs_section_size  }
0x9c: {  	s7 =	simm.s32 $_size__tile_overlayer_lowered;
	s8 =	simm.s32 $_tile_overlayer_lowered  }
0x9d: {  	s22 =	simm.s32 $0x1BFF;
	s21 =	sshll.u32 s8, $0x1;
	s5 =	sadd.s32 s6, s19  }
0x9e: {  	s9 =	simm.s32 $0x0;
	s20 =	sshll.u32 s7, $0x1;
	s7 =	sadd.s32 s21, s5  }
0x9f: {  	[timem:s9], [sflag:s22] =	dma.local [hbm:s7], s20  }
0xa0: {  	_ =	swait.ge [sflag:s22], s20  }
0xa1: {  	s6 =	ssub.s32 $0x0, s20;
	[sflag:s22] =	ssyncset.done $0x0  }
0xa2: {  	[sflag:s22] =	ssyncadd.s32 s6;
	_ =	sdelay $0x1  }
0xa3: {  	s23 =	simm.s32 $0x1B8B  }
0xa4: {  	_ =	swait.ge [sflag:s23], $0x1  }
0xa5: {  	[sflag:s23] =	ssyncset.done $0x0  }
0xa6: {  	s25 =	simm.s32 $0x1B8E;
	s24 =	sld [smem:$0x3FFE];
	[sflag:s23] =	ssyncadd.s32 $0xFFFFFFFF  }
0xa7: {  	s26 =	simm.s32 $execute0_lowered;
	[smem:$0x3FD2] =	sst s25  }
0xa8: {  	s7 =	sshll.u32 s26, $0x1;
	_ =	strace $0x80000046;
	[dreg:$0x1] =	wrdreg $0xFFFFFFFF  }
0xa9: {  	s28 =	simm.s32 $_size_execute0_lowered;
	s5 =	sadd.s32 s5, s7;
	[dreg:$0x0] =	wrdreg $0x0  }
0xaa: {  	s7 =	sshll.u32 s28, $0x1;
	[dreg:$0x2] =	wrdreg s5  }
0xab: {  	[dreg:$0x3] =	wrdreg s7  }
0xac: {  	[dreg:$0x4] =	wrdreg $0xC0  }
0xad: {  	_ =	task [dreg:s9], $0x5FFFF  }
0xae: {  	[dreg:$0x1] =	wrdreg $0xFFFFFFFF  }
0xaf: {  	[dreg:$0x0] =	wrdreg $0x60  }
0xb0: {  	[dreg:$0x2] =	wrdreg s2  }
0xb1: {  	[dreg:$0x3] =	wrdreg s18  }
0xb2: {  	[dreg:$0x4] =	wrdreg s4  }
0xb3: {  	[dreg:$0x5] =	wrdreg s24  }
0xb4: {  	[dreg:$0x6] =	wrdreg $0x9  }
0xb5: {  	_ =	task.clear_ibuf [dreg:s9], $0x7FFFF;
	_ =	strace $0x90000046  }
0xb6: {  	s29 =	simm.s32 $0x9;
	_ =	strace $0x80000048  }
0xb7: {  	_ =	swait.ge [sflag:s29], $0x1  }
0xb8: {  	[sflag:s29] =	ssyncadd.s32 $0xFFFFFFFF  }
0xb9: {  	_ =	strace $0x90000048  }
0xba: {  	_ =	sfence  }
0xbb: {  	s30 =	sld [smem:$0x0];
	_ =	sdelay $0x2  }
0xbc: {  	s31 =	sshll.u32 s1, $0xD;
	s1 =	sshrl.u32 s1, $0x2  }
0xbd: {  	s3 =	sand.u32 $0x4000, s31;
	s1 =	sadd.s32 s1, s30  }
0xbe: {  	s0 =	sor.u32 s3, s0;
	s1 =	sshll.u32 s1, $0x11  }
0xbf: {  	s0 =	sor.u32 s1, s0  }
0xc0: {  	s0 =	sadd.s32 $0x8F2B, s0  }
0xc1: {  	[sflag:s0] =	ssyncadd.remote.s32 $0x1  }
0xc2: {  	_ =	sfence.sel $0xFFFF  }
0xc3: {  	[dreg:$0x0] =	wrdreg $0xFFFFFFFF;
	(pc) =	sbr.abs _section_cstart, $3  }
0xc4: {  	[dreg:$0x1] =	wrdreg $0xFFFFFFFF  }
0xc5: {  	_ =	task.clear_ibuf [dreg:s9], $0x2FFFF;
	_ =	strace $0x9FFFFFFF  }
0xc6: {  	(tm) =	ssettm $0x7FFFFFFF  }
0xc7: {  	_ =	shalt  }
tec
execute0_lowered:
.L_overlay_start_1:
0x0: {  	(tag) =	ssettag $0x1  }
0x1: {  	s0 =	rddreg [dreg:$0x0]  }
0x2: {  	s1 =	rddreg [dreg:$0x1]  }
0x3: {  	s7 =	rddreg [dreg:$0x2]  }
0x4: {  	s3 =	rddreg [dreg:$0x3];
	s2 =	simm.s32 $0x0  }
0x5: {  	s6 =	stileid.u32;
	s4 =	srdreg.scid;
	s15 =	simm.s32 $0x4000  }
0x6: {  	s16 =	simm.s32 $0xC000;
	s18 =	simm.s32 $0x5;
	s19 =	simm.s32 $0x1  }
0x7: {  	s20 =	simm.s32 $0x3;
	s21 =	simm.s32 $0x10100;
	s22 =	simm.s32 $0x2  }
0x8: {  	s23 =	simm.s32 $0x4;
	[smem:$0x7FF] =	sst s2;
	s4 =	sand.u32 $0x1, s4  }
0x9: {  	s5 =	sshll.u32 s6, $0x1;
	s6 =	sshll.u32 s6, $0x6;
	_ =	strace $0x80000047  }
0xa: {  	s8 =	ssub.s32 $0x2, s4;
	s9 =	sor.u32 s4, s5;
	s25 =	sand.u32 $0x300, s6  }
0xb: {  	s26 =	sshrl.u32 s8, $0x1;
	s10 =	sshll.u32 s9, $0xD;
	s12 =	sadd.s32 s25, s3  }
0xc: {  	s29 =	sshll.u32 s9, $0x5;
	s14 =	sshll.u32 s9, $0x4;
	s13 =	ssub.s32 s8, s26  }
0xd: {  	s28 =	sor.u32 $0x800, s10;
	s3 =	sadd.s32 s0, s10;
	s4 =	sadd.s32 s1, s10  }
.Ltmp0:
0xe: {  	s11 =	sor.u32 $0x1000, s10;
	s7 =	sadd.s32 s7, s29;
	(pc) =	sbr.rel .LBB2_1-.Ltmp0, $4  }
0xf: {  	s30 =	sor.u32 $0x1800, s10;
	s14 =	sand.u32 $0x70, s14;
	s26 =	simm.s32 $0x0  }
0x10: {  	s5 =	sadd.s32 s0, s28;
	s6 =	sadd.s32 s1, s28;
	s8 =	sadd.s32 s0, s11  }
0x11: {  	s9 =	sadd.s32 s1, s11;
	s10 =	sadd.s32 s0, s30;
	s31 =	sadd.s32 s14, s12  }
0x12: {  	v0 =	vimm.f32 $0.0e+00;
	v1 =	vlaneseq.u32;
	s11 =	sadd.s32 s1, s30;
	s13 =	smax.u32 s13, $0x1;
	s12 =	sadd.s32 $0x800, s31  }
.LBB2_12:
0x13: {  	s26 =	sadd.s32 $0x1, s26  }
0x14: {  	p0 =	sne.s32 s26, s13  }
.Ltmp1:
0x15: {  	s0 =	simm.s32 $0x80;
	s1 =	simm.s32 $0x400;
	(pc) =	sbr.rel @!p0 .LBB2_13-.Ltmp1, $4  }
0x16: {  	[hbm4b:s12+s0] =	stream.strided.scatter [tilespmem:s21], [sflag:$0x5], $0x100, s1, s0, $0x38;
	[tilespmem:$0x10200] =	vst v63  }
0x17: {  	_ =	swait.ge [sflag:s18], $0x100  }
0x18: {  	[sflag:s18] =	ssyncset.done $0x0  }
0x19: {  	[sflag:s18] =	ssyncadd.s32 $0xFFFFFF00  }
.LBB2_1:
0x1a: {  	[tilespmem:s2], [sflag:$0x1] =	stream.linear.gather [hbm4b:s3+s2], $0x4000, $0x38;
	[tilespmem:$0x10200] =	vst v63  }
0x1b: {  	s0 =	simm.s32 $0x8000  }
0x1c: {  	[tilespmem:s0], [sflag:$0x3] =	stream.linear.gather [hbm4b:s4+s2], $0x4000, $0x38;
	[tilespmem:$0x10200] =	vst v63  }
0x1d: {  	_ = 	snop  }
0x1e: {  	[tilespmem:s15], [sflag:$0x2] =	stream.linear.gather [hbm4b:s5+s2], $0x4000, $0x38;
	[tilespmem:$0x10200] =	vst v63  }
0x1f: {  	_ = 	snop  }
0x20: {  	[tilespmem:s16], [sflag:$0x4] =	stream.linear.gather [hbm4b:s6+s2], $0x4000, $0x38;
	[tilespmem:$0x10200] =	vst v63  }
0x21: {  	[tilespmem:$0x10100] =	vst v0  }
0x22: {  	[tilespmem:$0x10110] =	vst v0  }
0x23: {  	[tilespmem:$0x10120] =	vst v0  }
0x24: {  	[tilespmem:$0x10130] =	vst v0  }
0x25: {  	[tilespmem:$0x10140] =	vst v0  }
0x26: {  	[tilespmem:$0x10150] =	vst v0  }
0x27: {  	[tilespmem:$0x10160] =	vst v0  }
0x28: {  	[tilespmem:$0x10170] =	vst v0  }
0x29: {  	[tilespmem:$0x10180] =	vst v0  }
0x2a: {  	[tilespmem:$0x10190] =	vst v0  }
0x2b: {  	[tilespmem:$0x101A0] =	vst v0  }
0x2c: {  	[tilespmem:$0x101B0] =	vst v0  }
0x2d: {  	[tilespmem:$0x101C0] =	vst v0  }
0x2e: {  	[tilespmem:$0x101D0] =	vst v0  }
0x2f: {  	[tilespmem:$0x101E0] =	vst v0  }
0x30: {  	s31 =	simm.s32 $0x10000;
	[tilespmem:$0x101F0] =	vst v0  }
0x31: {  	[tilespmem:s31], [sflag:$0x5] =	stream.linear.gather [hbm4b:s7+s2], $0x100, $0x38;
	[tilespmem:$0x10200] =	vst v63  }
0x32: {  	_ =	swait.ge [sflag:s18], $0x100  }
0x33: {  	[sflag:s18] =	ssyncset.done $0x0  }
0x34: {  	p0 =	por $0x1, $0x1;
	s0 =	simm.s32 $0x0;
	[sflag:s18] =	ssyncadd.s32 $0xFFFFFF00  }
.LBB2_2:
0x35: {  	_ =	swait.ge [sflag:s19], $0x4000  }
0x36: {  	[sflag:s19] =	ssyncset.done $0x0  }
0x37: {  	[sflag:s19] =	ssyncadd.s32 $0xFFFFC000  }
0x38: {  	s28 =	sshra.s32 s0, $0x2;
	_ =	swait.ge [sflag:s20], $0x4000  }
0x39: {  	s29 =	simm.s32 $0x0;
	s0 =	sadd.s32 $0x10000, s28;
	[sflag:s20] =	ssyncset.done $0x0  }
0x3a: {  	s24 =	simm.s32 $0x0;
	s31 =	simm.s32 $0x0;
	v2 =	vmov s0;
	[sflag:s20] =	ssyncadd.s32 $0xFFFFC000  }
.LBB2_3:
0x3b: {  	_ =	sdelay $0x2  }
0x3c: {  	s0 =	sshll.u32 s31, $0x4;
	s1 =	sand.u32 $0x3800, s24;
	s14 =	sand.u32 $0x380, s29  }
0x3d: {  	v3 =	vld.idx.msk [tilespmem:v2+s0+$0x0 ss:$0x1], $0xffff;
	s0 =	sor.u32 s14, s1  }
0x3e: {  	s17 =	simm.s32 $0x0;
	v4 =	vld [tilespmem:s0+$0x8000]  }
0x3f: {  	s30 =	smov.u32 s24;
	s14 =	simm.s32 $0x1;
	s1 =	simm.s32 $0x0;
	v5 =	vld [tilespmem:s0+$0x0]  }
.LBB2_4:
0x40: {  	p1 =	sne.s32 s14, $0xF;
	v6 =	vld [tilespmem:s0+$0x10]  }
0x41: {  	v7 =	vld [tilespmem:s0+$0x8010]  }
0x42: {  	v8 =	vld [tilespmem:s0+$0x20]  }
0x43: {  	v9 =	vld [tilespmem:s0+$0x8020]  }
0x44: {  	v10 =	vld [tilespmem:s0+$0x30]  }
0x45: {  	v11 =	vld [tilespmem:s0+$0x8030]  }
0x46: {  	v4 =	vsub.f32 v5, v4;
	v5 =	vsub.f32 v6, v7;
	v6 =	vld [tilespmem:s0+$0x40]  }
0x47: {  	v7 =	vld [tilespmem:s0+$0x8040]  }
0x48: {  	v4 =	vmul.f32 v4, v4;
	v5 =	vmul.f32 v5, v5;
	v8 =	vsub.f32 v8, v9;
	v9 =	vld [tilespmem:s0+$0x50]  }
0x49: {  	v12 =	vld [tilespmem:s0+$0x8050]  }
0x4a: {  	v4 =	vadd.f32 v5, v4;
	v5 =	vmul.f32 v8, v8;
	v8 =	vsub.f32 v10, v11;
	v10 =	vld [tilespmem:s0+$0x60]  }
0x4b: {  	v11 =	vld [tilespmem:s0+$0x8060]  }
0x4c: {  	v4 =	vadd.f32 v5, v4;
	v5 =	vmul.f32 v8, v8;
	v6 =	vsub.f32 v6, v7;
	v7 =	vld [tilespmem:s0+$0x70]  }
0x4d: {  	v8 =	vld [tilespmem:s0+$0x8070]  }
0x4e: {  	v4 =	vadd.f32 v5, v4;
	v5 =	vmul.f32 v6, v6;
	v6 =	vsub.f32 v9, v12;
	v9 =	vld [tilespmem:s0+$0x400]  }
0x4f: {  	v12 =	vld [tilespmem:s0+$0x8400]  }
0x50: {  	v4 =	vadd.f32 v5, v4;
	v5 =	vmul.f32 v6, v6;
	v6 =	vsub.f32 v10, v11;
	v10 =	vld [tilespmem:s0+$0x410]  }
0x51: {  	v11 =	vld [tilespmem:s0+$0x8410]  }
0x52: {  	v4 =	vadd.f32 v5, v4;
	v5 =	vmul.f32 v6, v6;
	v6 =	vsub.f32 v7, v8;
	v7 =	vld [tilespmem:s0+$0x420]  }
0x53: {  	v13 =	vmov s1;
	s1 =	smov.u32 s14;
	v8 =	vld [tilespmem:s0+$0x8420]  }
0x54: {  	v4 =	vadd.f32 v5, v4;
	v5 =	vmul.f32 v6, v6;
	v6 =	vsub.f32 v9, v12;
	v9 =	vld [tilespmem:s0+$0x430]  }
0x55: {  	vm0 =	veq.s32 v13, v1;
	v12 =	vld [tilespmem:s0+$0x8430]  }
0x56: {  	v4 =	vadd.f32 v5, v4;
	v5 =	vmul.f32 v6, v6;
	v6 =	vsub.f32 v10, v11;
	v10 =	vld [tilespmem:s0+$0x440]  }
0x57: {  	v13 =	vnsel vm0, $0x0, v3;
	v11 =	vld [tilespmem:s0+$0x8440]  }
0x58: {  	v4 =	vadd.f32 v5, v4;
	v5 =	vmul.f32 v6, v6;
	v6 =	vsub.f32 v7, v8;
	v7 =	vld [tilespmem:s0+$0x450];
	(xrf0) =	vadd.scan.msk.s32 $0xffff, v13  }
0x59: {  	v8 =	vld [tilespmem:s0+$0x8450]  }
0x5a: {  	v4 =	vadd.f32 v5, v4;
	v5 =	vmul.f32 v6, v6;
	v6 =	vsub.f32 v9, v12;
	v9 =	vld [tilespmem:s0+$0x460]  }
0x5b: {  	v12 =	vld [tilespmem:s0+$0x8460]  }
0x5c: {  	v4 =	vadd.f32 v5, v4;
	v5 =	vmul.f32 v6, v6;
	v6 =	vsub.f32 v10, v11;
	v10 =	vld [tilespmem:s0+$0x470]  }
0x5d: {  	v11 =	vld [tilespmem:s0+$0x8470]  }
0x5e: {  	v4 =	vadd.f32 v5, v4;
	v5 =	vmul.f32 v6, v6;
	v6 =	vsub.f32 v7, v8;
	v7, _, _ =	vpop (xrf0)  }
0x5f: {  	v7 =	vshll.u32 v7, $0x4  }
0x60: {  	v4 =	vadd.f32 v5, v4;
	v5 =	vmul.f32 v6, v6;
	v6 =	vsub.f32 v9, v12  }
0x61: {  	v7 =	vbroadcast v7, $0xF  }
0x62: {  	v4 =	vadd.f32 v5, v4;
	v5 =	vmul.f32 v6, v6;
	v6 =	vsub.f32 v10, v11  }
0x63: {  	v7 =	vor.u32 v1, v7  }
0x64: {  	v4 =	vadd.f32 v5, v4;
	v5 =	vmul.f32 v6, v6;
	_ =	sdelay $0x1  }
.Ltmp2:
0x65: {  	s17 =	sadd.s32 $0x80, s17;
	s30 =	sadd.s32 $0x100, s30;
	v4 =	vadd.f32 v5, v4;
	(pc) =	sbr.rel @p1 .LBB2_4-.Ltmp2, $4  }
0x66: {  	s25 =	sand.u32 $0x380, s17;
	s0 =	sand.u32 $0x3800, s30  }
0x67: {  	s0 =	sor.u32 s25, s0;
	[tilespmem:v7+s21+$0x0] =	vst.idx.add.f32.msk $0xffff, v4  }
0x68: {  	v4 =	vld [tilespmem:s0+$0x8000]  }
0x69: {  	s14 =	sadd.s32 $0x1, s14;
	v5 =	vld [tilespmem:s0+$0x0]  }
0x6a: {  	v6 =	vld [tilespmem:s0+$0x10]  }
0x6b: {  	v7 =	vld [tilespmem:s0+$0x8010]  }
0x6c: {  	v8 =	vld [tilespmem:s0+$0x20]  }
0x6d: {  	v9 =	vld [tilespmem:s0+$0x8020]  }
0x6e: {  	v10 =	vld [tilespmem:s0+$0x30]  }
0x6f: {  	v11 =	vld [tilespmem:s0+$0x8030]  }
0x70: {  	v17 =	vld [tilespmem:s0+$0x40]  }
0x71: {  	v18 =	vld [tilespmem:s0+$0x8040];
	v4 =	vsub.f32 v5, v4;
	v16 =	vsub.f32 v6, v7  }
0x72: {  	v19 =	vld [tilespmem:s0+$0x50]  }
0x73: {  	v12 =	vld [tilespmem:s0+$0x8050];
	v8 =	vsub.f32 v8, v9;
	v4 =	vmul.f32 v4, v4;
	v5 =	vmul.f32 v16, v16  }
0x74: {  	v22 =	vld [tilespmem:s0+$0x60]  }
0x75: {  	v23 =	vld [tilespmem:s0+$0x8060];
	v21 =	vsub.f32 v10, v11;
	v20 =	vmul.f32 v8, v8;
	v4 =	vadd.f32 v5, v4  }
0x76: {  	v25 =	vld [tilespmem:s0+$0x70]  }
0x77: {  	v26 =	vld [tilespmem:s0+$0x8070];
	v6 =	vsub.f32 v17, v18;
	v24 =	vmul.f32 v21, v21;
	v4 =	vadd.f32 v20, v4  }
0x78: {  	v29 =	vld [tilespmem:s0+$0x400]  }
0x79: {  	v30 =	vld [tilespmem:s0+$0x8400];
	v28 =	vsub.f32 v19, v12;
	v27 =	vmul.f32 v6, v6;
	v4 =	vadd.f32 v24, v4  }
0x7a: {  	v33 =	vld [tilespmem:s0+$0x410]  }
0x7b: {  	v34 =	vld [tilespmem:s0+$0x8410];
	v32 =	vsub.f32 v22, v23;
	v31 =	vmul.f32 v28, v28;
	v4 =	vadd.f32 v27, v4  }
0x7c: {  	v37 =	vld [tilespmem:s0+$0x420]  }
0x7d: {  	v38 =	vld [tilespmem:s0+$0x8420];
	v36 =	vsub.f32 v25, v26;
	v35 =	vmul.f32 v32, v32;
	v4 =	vadd.f32 v31, v4  }
0x7e: {  	v13 =	vmov s1;
	v41 =	vld [tilespmem:s0+$0x430]  }
0x7f: {  	v42 =	vld [tilespmem:s0+$0x8430];
	v40 =	vsub.f32 v29, v30;
	v39 =	vmul.f32 v36, v36;
	v4 =	vadd.f32 v35, v4  }
0x80: {  	v45 =	vld [tilespmem:s0+$0x440];
	vm0 =	veq.s32 v13, v1  }
0x81: {  	v46 =	vld [tilespmem:s0+$0x8440];
	v44 =	vsub.f32 v33, v34;
	v43 =	vmul.f32 v40, v40;
	v4 =	vadd.f32 v39, v4  }
0x82: {  	v49 =	vld [tilespmem:s0+$0x450];
	v3 =	vnsel vm0, $0x0, v3  }
0x83: {  	v52 =	vld [tilespmem:s0+$0x460];
	v48 =	vsub.f32 v37, v38;
	v47 =	vmul.f32 v44, v44;
	v4 =	vadd.f32 v43, v4  }
0x84: {  	(xrf0) =	vadd.scan.msk.s32 $0xffff, v3;
	v3 =	vld [tilespmem:s0+$0x8450]  }
0x85: {  	v53 =	vld [tilespmem:s0+$0x8460];
	v51 =	vsub.f32 v41, v42;
	v50 =	vmul.f32 v48, v48;
	v4 =	vadd.f32 v47, v4;
	_ =	sdelay $0x1  }
0x86: {  	v56 =	vld [tilespmem:s0+$0x470];
	v55 =	vsub.f32 v45, v46;
	v54 =	vmul.f32 v51, v51;
	v4 =	vadd.f32 v50, v4  }
0x87: {  	v57 =	vld [tilespmem:s0+$0x8470]  }
0x88: {  	v58 =	vmul.f32 v55, v55;
	v3 =	vsub.f32 v49, v3;
	v4 =	vadd.f32 v54, v4  }
0x89: {  	v60 =	vsub.f32 v52, v53;
	v59, _, _ =	vpop (xrf0)  }
0x8a: {  	v6 =	vshll.u32 v59, $0x4;
	v3 =	vmul.f32 v3, v3;
	v4 =	vadd.f32 v58, v4  }
0x8b: {  	v6 =	vbroadcast v6, $0xF  }
0x8c: {  	s31 =	sadd.s32 $0x1, s31;
	v62 =	vsub.f32 v56, v57;
	v61 =	vmul.f32 v60, v60;
	v3 =	vadd.f32 v3, v4  }
0x8d: {  	p1 =	sne.s32 s31, $0x4;
	v6 =	vor.u32 v1, v6  }
.Ltmp3:
0x8e: {  	v63 =	vmul.f32 v62, v62;
	v3 =	vadd.f32 v61, v3;
	(pc) =	sbr.rel @p1 .LBB2_3-.Ltmp3, $3  }
0x8f: {  	_ = 	snop  }
0x90: {  	v3 =	vadd.f32 v63, v3;
	_ =	sdelay $0x1  }
0x91: {  	s24 =	sadd.s32 $0x1000, s24;
	[tilespmem:v6+s21+$0x0] =	vst.idx.add.f32.msk $0xffff, v3  }
0x92: {  	s0 =	simm.s32 @p0 $0x0  }
0x93: {  	[tilespmem:s0], [sflag:$0x1] =	stream.linear.gather @p0 [hbm4b:s8+s0], $0x4000, $0x38;
	[tilespmem:$0x10200] =	vst v63  }
0x94: {  	s1 =	simm.s32 @p0 $0x8000  }
0x95: {  	[tilespmem:s1], [sflag:$0x3] =	stream.linear.gather @p0 [hbm4b:s9+s0], $0x4000, $0x38;
	[tilespmem:$0x10200] =	vst v63  }
0x96: {  	_ =	swait.ge [sflag:s22], $0x4000  }
0x97: {  	[sflag:s22] =	ssyncset.done $0x0  }
0x98: {  	[sflag:s22] =	ssyncadd.s32 $0xFFFFC000  }
0x99: {  	_ =	swait.ge [sflag:s23], $0x4000  }
0x9a: {  	s31 =	sadd.s32 $0x10040, s28;
	s28 =	simm.s32 $0x0;
	[sflag:s23] =	ssyncset.done $0x0  }
0x9b: {  	s29 =	simm.s32 $0x0;
	s30 =	simm.s32 $0x0;
	v2 =	vmov s31;
	[sflag:s23] =	ssyncadd.s32 $0xFFFFC000  }
.LBB2_7:
0x9c: {  	_ =	sdelay $0x2  }
0x9d: {  	s0 =	sshll.u32 s30, $0x4;
	s1 =	sand.u32 $0x3800, s29;
	s14 =	sand.u32 $0x380, s28  }
0x9e: {  	v3 =	vld.idx.msk [tilespmem:v2+s0+$0x0 ss:$0x1], $0xffff;
	s17 =	sor.u32 s14, s1  }
0x9f: {  	s31 =	simm.s32 $0x0;
	v4 =	vld [tilespmem:s17+$0xC000]  }
0xa0: {  	s14 =	simm.s32 $0x1;
	s1 =	smov.u32 s29;
	s0 =	simm.s32 $0x0;
	v5 =	vld [tilespmem:s17+$0x4000]  }
.LBB2_8:
0xa1: {  	p1 =	sne.s32 s14, $0xF;
	v6 =	vld [tilespmem:s17+$0x4010]  }
0xa2: {  	v7 =	vld [tilespmem:s17+$0xC010]  }
0xa3: {  	v8 =	vld [tilespmem:s17+$0x4020]  }
0xa4: {  	v9 =	vld [tilespmem:s17+$0xC020]  }
0xa5: {  	v10 =	vld [tilespmem:s17+$0x4030]  }
0xa6: {  	v11 =	vld [tilespmem:s17+$0xC030]  }
0xa7: {  	v4 =	vsub.f32 v5, v4;
	v5 =	vsub.f32 v6, v7;
	v6 =	vld [tilespmem:s17+$0x4040]  }
0xa8: {  	v7 =	vld [tilespmem:s17+$0xC040]  }
0xa9: {  	v4 =	vmul.f32 v4, v4;
	v5 =	vmul.f32 v5, v5;
	v8 =	vsub.f32 v8, v9;
	v9 =	vld [tilespmem:s17+$0x4050]  }
0xaa: {  	v12 =	vld [tilespmem:s17+$0xC050]  }
0xab: {  	v4 =	vadd.f32 v5, v4;
	v5 =	vmul.f32 v8, v8;
	v8 =	vsub.f32 v10, v11;
	v10 =	vld [tilespmem:s17+$0x4060]  }
0xac: {  	s24 =	sand.u32 $0xFFFFF800, s1;
	v11 =	vld [tilespmem:s17+$0xC060]  }
0xad: {  	s24 =	sadd.s32 s24, s0;
	v4 =	vadd.f32 v5, v4;
	v5 =	vmul.f32 v8, v8;
	v6 =	vsub.f32 v6, v7;
	v7 =	vld [tilespmem:s17+$0x4070]  }
0xae: {  	v8 =	vld [tilespmem:s17+$0xC070];
	s17 =	sor.u32 $0x4400, s24  }
0xaf: {  	v4 =	vadd.f32 v5, v4;
	v5 =	vmul.f32 v6, v6;
	v6 =	vsub.f32 v9, v12;
	v9 =	vld [tilespmem:s17+$0x0]  }
0xb0: {  	v12 =	vld [tilespmem:s17+$0x8000];
	s17 =	sor.u32 $0x4410, s24  }
0xb1: {  	v4 =	vadd.f32 v5, v4;
	v5 =	vmul.f32 v6, v6;
	v6 =	vsub.f32 v10, v11;
	v10 =	vld [tilespmem:s17+$0x0]  }
0xb2: {  	v11 =	vld [tilespmem:s17+$0x8000];
	s17 =	sor.u32 $0x4420, s24  }
0xb3: {  	v4 =	vadd.f32 v5, v4;
	v5 =	vmul.f32 v6, v6;
	v6 =	vsub.f32 v7, v8;
	v7 =	vld [tilespmem:s17+$0x0]  }
0xb4: {  	v13 =	vmov s31;
	s31 =	smov.u32 s14;
	v8 =	vld [tilespmem:s17+$0x8000];
	s17 =	sor.u32 $0x4430, s24  }
0xb5: {  	v4 =	vadd.f32 v5, v4;
	v5 =	vmul.f32 v6, v6;
	v6 =	vsub.f32 v9, v12;
	v9 =	vld [tilespmem:s17+$0x0]  }
0xb6: {  	vm0 =	veq.s32 v13, v1;
	v12 =	vld [tilespmem:s17+$0x8000];
	s17 =	sor.u32 $0x4440, s24  }
0xb7: {  	v4 =	vadd.f32 v5, v4;
	v5 =	vmul.f32 v6, v6;
	v6 =	vsub.f32 v10, v11;
	v10 =	vld [tilespmem:s17+$0x0]  }
0xb8: {  	v13 =	vnsel vm0, $0x0, v3;
	v11 =	vld [tilespmem:s17+$0x8000];
	s17 =	sor.u32 $0x4450, s24  }
0xb9: {  	v4 =	vadd.f32 v5, v4;
	v5 =	vmul.f32 v6, v6;
	v6 =	vsub.f32 v7, v8;
	v7 =	vld [tilespmem:s17+$0x0];
	(xrf0) =	vadd.scan.msk.s32 $0xffff, v13  }
0xba: {  	v8 =	vld [tilespmem:s17+$0x8000];
	s17 =	sor.u32 $0x4460, s24  }
0xbb: {  	v4 =	vadd.f32 v5, v4;
	v5 =	vmul.f32 v6, v6;
	v6 =	vsub.f32 v9, v12;
	v9 =	vld [tilespmem:s17+$0x0]  }
0xbc: {  	v12 =	vld [tilespmem:s17+$0x8000];
	s17 =	sor.u32 $0x4470, s24  }
0xbd: {  	v4 =	vadd.f32 v5, v4;
	v5 =	vmul.f32 v6, v6;
	v6 =	vsub.f32 v10, v11;
	v10 =	vld [tilespmem:s17+$0x0]  }
0xbe: {  	v11 =	vld [tilespmem:s17+$0x8000]  }
0xbf: {  	v4 =	vadd.f32 v5, v4;
	v5 =	vmul.f32 v6, v6;
	v6 =	vsub.f32 v7, v8;
	v7, _, _ =	vpop (xrf0)  }
0xc0: {  	v7 =	vshll.u32 v7, $0x4  }
0xc1: {  	v4 =	vadd.f32 v5, v4;
	v5 =	vmul.f32 v6, v6;
	v6 =	vsub.f32 v9, v12  }
0xc2: {  	v7 =	vbroadcast v7, $0xF  }
0xc3: {  	v4 =	vadd.f32 v5, v4;
	v5 =	vmul.f32 v6, v6;
	v6 =	vsub.f32 v10, v11  }
0xc4: {  	v7 =	vor.u32 v1, v7  }
0xc5: {  	v4 =	vadd.f32 v5, v4;
	v5 =	vmul.f32 v6, v6;
	_ =	sdelay $0x1  }
.Ltmp4:
0xc6: {  	s1 =	sadd.s32 $0x100, s1;
	s0 =	sadd.s32 $0x80, s0;
	v4 =	vadd.f32 v5, v4;
	(pc) =	sbr.rel @p1 .LBB2_8-.Ltmp4, $4  }
0xc7: {  	s24 =	sand.u32 $0x380, s0;
	s17 =	sand.u32 $0x3800, s1  }
0xc8: {  	s17 =	sor.u32 s24, s17;
	[tilespmem:v7+s21+$0x0] =	vst.idx.add.f32.msk $0xffff, v4  }
0xc9: {  	v4 =	vld [tilespmem:s17+$0xC000]  }
0xca: {  	s14 =	sadd.s32 $0x1, s14;
	v5 =	vld [tilespmem:s17+$0x4000]  }
0xcb: {  	v6 =	vld [tilespmem:s17+$0x4010]  }
0xcc: {  	v7 =	vld [tilespmem:s17+$0xC010]  }
0xcd: {  	v8 =	vld [tilespmem:s17+$0x4020]  }
0xce: {  	v9 =	vld [tilespmem:s17+$0xC020]  }
0xcf: {  	v10 =	vld [tilespmem:s17+$0x4030]  }
0xd0: {  	v11 =	vld [tilespmem:s17+$0xC030]  }
0xd1: {  	v17 =	vld [tilespmem:s17+$0x4040]  }
0xd2: {  	v18 =	vld [tilespmem:s17+$0xC040];
	v4 =	vsub.f32 v5, v4;
	v16 =	vsub.f32 v6, v7  }
0xd3: {  	v19 =	vld [tilespmem:s17+$0x4050]  }
0xd4: {  	v12 =	vld [tilespmem:s17+$0xC050];
	v8 =	vsub.f32 v8, v9;
	v4 =	vmul.f32 v4, v4;
	v5 =	vmul.f32 v16, v16  }
0xd5: {  	v22 =	vld [tilespmem:s17+$0x4060]  }
0xd6: {  	s1 =	sand.u32 $0xFFFFF800, s1;
	v23 =	vld [tilespmem:s17+$0xC060];
	v21 =	vsub.f32 v10, v11;
	v20 =	vmul.f32 v8, v8;
	v4 =	vadd.f32 v5, v4  }
0xd7: {  	v25 =	vld [tilespmem:s17+$0x4070];
	s0 =	sadd.s32 s1, s0  }
0xd8: {  	v26 =	vld [tilespmem:s17+$0xC070];
	s1 =	sor.u32 $0x4400, s0;
	v6 =	vsub.f32 v17, v18;
	v24 =	vmul.f32 v21, v21;
	v4 =	vadd.f32 v20, v4  }
0xd9: {  	v29 =	vld [tilespmem:s1+$0x0]  }
0xda: {  	s25 =	sor.u32 $0x4410, s0;
	v30 =	vld [tilespmem:s1+$0x8000];
	v28 =	vsub.f32 v19, v12;
	v27 =	vmul.f32 v6, v6;
	v4 =	vadd.f32 v24, v4  }
0xdb: {  	v33 =	vld [tilespmem:s25+$0x0]  }
0xdc: {  	s14 =	sor.u32 $0x4420, s0;
	v34 =	vld [tilespmem:s25+$0x8000];
	v32 =	vsub.f32 v22, v23;
	v31 =	vmul.f32 v28, v28;
	v4 =	vadd.f32 v27, v4  }
0xdd: {  	v37 =	vld [tilespmem:s14+$0x0]  }
0xde: {  	s17 =	sor.u32 $0x4430, s0;
	v38 =	vld [tilespmem:s14+$0x8000];
	v36 =	vsub.f32 v25, v26;
	v35 =	vmul.f32 v32, v32;
	v4 =	vadd.f32 v31, v4  }
0xdf: {  	v13 =	vmov s31;
	v41 =	vld [tilespmem:s17+$0x0]  }
0xe0: {  	s24 =	sor.u32 $0x4440, s0;
	v42 =	vld [tilespmem:s17+$0x8000];
	v39 =	vmul.f32 v36, v36;
	v40 =	vsub.f32 v29, v30;
	v4 =	vadd.f32 v35, v4  }
0xe1: {  	vm0 =	veq.s32 v13, v1;
	v45 =	vld [tilespmem:s24+$0x0]  }
0xe2: {  	s31 =	sor.u32 $0x4460, s0;
	v46 =	vld [tilespmem:s24+$0x8000];
	v44 =	vsub.f32 v33, v34;
	v43 =	vmul.f32 v40, v40;
	v4 =	vadd.f32 v39, v4  }
0xe3: {  	v3 =	vnsel vm0, $0x0, v3;
	s25 =	sor.u32 $0x4450, s0;
	v52 =	vld [tilespmem:s31+$0x0]  }
0xe4: {  	v49 =	vld [tilespmem:s25+$0x0];
	v48 =	vsub.f32 v37, v38;
	v47 =	vmul.f32 v44, v44;
	v4 =	vadd.f32 v43, v4  }
0xe5: {  	(xrf0) =	vadd.scan.msk.s32 $0xffff, v3;
	v3 =	vld [tilespmem:s25+$0x8000]  }
0xe6: {  	v53 =	vld [tilespmem:s31+$0x8000];
	v51 =	vsub.f32 v41, v42;
	v50 =	vmul.f32 v48, v48;
	v4 =	vadd.f32 v47, v4  }
0xe7: {  	s0 =	sor.u32 $0x4470, s0  }
0xe8: {  	v56 =	vld [tilespmem:s0+$0x0];
	v55 =	vsub.f32 v45, v46;
	v54 =	vmul.f32 v51, v51;
	v4 =	vadd.f32 v50, v4  }
0xe9: {  	v57 =	vld [tilespmem:s0+$0x8000]  }
0xea: {  	v3 =	vsub.f32 v49, v3;
	v58 =	vmul.f32 v55, v55;
	v4 =	vadd.f32 v54, v4  }
0xeb: {  	v60 =	vsub.f32 v52, v53;
	v59, _, _ =	vpop (xrf0)  }
0xec: {  	v6 =	vshll.u32 v59, $0x4;
	v3 =	vmul.f32 v3, v3;
	v4 =	vadd.f32 v58, v4  }
0xed: {  	v6 =	vbroadcast v6, $0xF  }
0xee: {  	s30 =	sadd.s32 $0x1, s30;
	v62 =	vsub.f32 v56, v57;
	v61 =	vmul.f32 v60, v60;
	v3 =	vadd.f32 v3, v4  }
0xef: {  	p1 =	sne.s32 s30, $0x4;
	v6 =	vor.u32 v1, v6  }
.Ltmp5:
0xf0: {  	v63 =	vmul.f32 v62, v62;
	v3 =	vadd.f32 v61, v3;
	(pc) =	sbr.rel @p1 .LBB2_7-.Ltmp5, $3  }
0xf1: {  	_ = 	snop  }
0xf2: {  	v3 =	vadd.f32 v63, v3;
	_ =	sdelay $0x1  }
0xf3: {  	s29 =	sadd.s32 $0x1000, s29;
	[tilespmem:v6+s21+$0x0] =	vst.idx.add.f32.msk $0xffff, v3  }
.Ltmp6:
0xf4: {  	(pc) =	sbr.rel @!p0 .LBB2_12-.Ltmp6, $1  }
0xf5: {  	_ =	sdelay $0x3  }
.Ltmp7:
0xf6: {  	(pc) =	sbr.rel .LBB2_2-.Ltmp7, $4  }
0xf7: {  	_ = 	snop  }
0xf8: {  	[tilespmem:s15], [sflag:$0x2] =	stream.linear.gather [hbm4b:s10+s2], $0x4000, $0x38;
	[tilespmem:$0x10200] =	vst v63  }
0xf9: {  	s0 =	simm.s32 $0x200;
	p0 =	por $0x0, $0x0  }
0xfa: {  	[tilespmem:s16], [sflag:$0x4] =	stream.linear.gather [hbm4b:s11+s2], $0x4000, $0x38;
	[tilespmem:$0x10200] =	vst v63  }
.LBB2_13:
0xfb: {  	_ =	sfence.sel $0x180000  }
0xfc: {  	[bflag:$0x0] =	sbarrier.arrive $0xFFFF  }
0xfd: {  	_ =	strace $0x90000047  }
0xfe: {  	s0 =	stileid.u32;
	[bflag:$0x2] =	sbarrier.arrive $0xFFFF  }
0xff: {  	p0 =	sne.s32 s0, $0x0;
	s0 =	rddreg [dreg:$0x4]  }
0x100: {  	s0 =	sadd.s32 @!p0 $0x100000, s0  }
0x101: {  	[sflag:s0] =	ssyncadd.tile.s32 @!p0 $0x1;
	_ =	shalt  }
.Lfunc_end2:
_tile_overlayer_lowered:
.L_overlay_start_2:
0x102: {  	(tag) =	ssettag $0x2  }
0x103: {  	s0 =	rddreg [dreg:$0x0];
	s2 =	stileid.u32  }
0x104: {  	s1 =	rddreg [dreg:$0x1];
	p0 =	sne.s32 s2, $0x0  }
0x105: {  	s3 =	rddreg [dreg:$0x2];
	[bflag:$0x3] =	sbarrier.arrive $0xFFFF;
	s2 =	simm.s32 @!p0 $0x1C05  }
0x106: {  	[timem:s3], [sflag:s2] =	dma.local @!p0 [hbm:s0], s1  }
0x107: {  	s0 =	simm.s32 @!p0 $0x5  }
0x108: {  	_ =	swait.ge @!p0 [sflag:s0], s1  }
0x109: {  	s1 =	ssub.s32 @!p0 $0x0, s1;
	[sflag:s0] =	ssyncset.done @!p0 $0x0  }
0x10a: {  	[sflag:s0] =	ssyncadd.s32 @!p0 s1  }
0x10b: {  	[bflag:$0x3] =	sbarrier.arrive $0xFFFF  }
0x10c: {  	_ =	shalt  }

</sc_bundles>
